<compile_context>
chip_gen: v7x
topology: tpu7x:2x2x1
jax: 0.10.2.dev20260603
libtpu: 0.0.44.dev20260713+nightly
codegen_flags: <defaults>
</compile_context>

<pallas_src>
import dataclasses
import functools

import jax
import jax.numpy as jnp
from jax import lax
from jax.experimental import pallas as pl
from jax.experimental.pallas import tpu as pltpu
from jax.experimental.pallas import tpu_sc as plsc

N_NODES = 10000
N_EDGES = 320000
D = 128
NC = 2
NS = 16
L = 16
CHUNK = 128
J = 80
SUP = 8
E_PAD = NC * NS * J * CHUNK
N_PAD = 10080
H0 = 10080
H_ROWS = 80
A_ROWS = 10240
ROWS_PER_SUB = A_ROWS // NS

_mesh = plsc.VectorSubcoreMesh(core_axis_name="c", subcore_axis_name="s")

_cp = pltpu.CompilerParams()
if "needs_layout_passes" in pltpu.CompilerParams.__dataclass_fields__:
    _cp = dataclasses.replace(_cp, needs_layout_passes=False)


@functools.partial(
    pl.kernel,
    compiler_params=_cp,
    out_type=jax.ShapeDtypeStruct((NC, A_ROWS, D), jnp.float32),
    mesh=_mesh,
    scratch_types=[
        pltpu.VMEM((CHUNK, D), jnp.float32),
        pltpu.VMEM((CHUNK, D), jnp.float32),
        pltpu.VMEM((H_ROWS, D), jnp.float32),
        pltpu.VMEM((SUP, CHUNK), jnp.int32),
        pltpu.VMEM((SUP, CHUNK), jnp.int32),
        pltpu.VMEM((SUP, CHUNK), jnp.int32),
        pltpu.VMEM((SUP, CHUNK), jnp.int32),
        pltpu.VMEM((H_ROWS,), jnp.int32),
        pltpu.VMEM_SHARED((A_ROWS, D), jnp.float32),
        pltpu.SemaphoreType.DMA,
        pltpu.SemaphoreType.DMA,
        pltpu.SemaphoreType.DMA,
        pltpu.SemaphoreType.DMA,
        pltpu.SemaphoreType.DMA,
        pltpu.SemaphoreType.DMA,
    ],
)
def _sc_aggregate(src_hbm, dst_hbm, h_hbm, p_out,
                  rows_v, rows_b, hist_v, src_a, dst_a, src_b, dst_b,
                  fold_v, acc_s,
                  sem_ga, sem_gb, sem_sa, sem_sb, sem_ia, sem_ib):
    c = lax.axis_index("c")
    s = lax.axis_index("s")

    @pl.loop(0, CHUNK)
    def _zero_rows(i):
        @pl.loop(0, D, step=L)
        def _zero_cols(jc):
            rows_v[i, pl.ds(jc, L)] = jnp.zeros((L,), jnp.float32)

    @pl.loop(0, H_ROWS)
    def _zero_hist(i):
        @pl.loop(0, D, step=L)
        def _zero_hcols(jc):
            hist_v[i, pl.ds(jc, L)] = jnp.zeros((L,), jnp.float32)
    base_row = s * ROWS_PER_SUB
    for k in range(ROWS_PER_SUB // CHUNK):
        pltpu.sync_copy(rows_v, acc_s.at[pl.ds(base_row + k * CHUNK, CHUNK)])

    plsc.subcore_barrier()

    wid = c * NS + s
    lane = lax.iota(jnp.int32, L)
    ones16 = jnp.ones((L,), jnp.float32)

    def _hist_update(jj, dstb):
        for m in range(CHUNK // L):
            d16 = dstb[jj, pl.ds(m * L, L)]
            r16 = lax.shift_right_logical(d16, 7)
            c16 = jnp.bitwise_and(d16, 127)
            plsc.addupdate_scatter(hist_v, [r16, c16], ones16)

    def _pair_loop(srcb, dstb):
        @pl.loop(0, SUP, step=2)
        def _pair(jj):
            pltpu.make_async_copy(h_hbm.at[srcb.at[jj]], rows_v, sem_ga).wait()

            @pl.when(jj > 0)
            def _drain_sb():
                pltpu.make_async_copy(rows_b, acc_s.at[dstb.at[jj]],
                                      sem_sb).wait()

            pltpu.async_copy(h_hbm.at[srcb.at[jj + 1]], rows_b, sem_gb)
            pltpu.async_copy(rows_v, acc_s.at[dstb.at[jj]], sem_sa, add=True)
            _hist_update(jj, dstb)
            pltpu.make_async_copy(h_hbm.at[srcb.at[jj + 1]], rows_b,
                                  sem_gb).wait()
            pltpu.make_async_copy(rows_v, acc_s.at[dstb.at[jj]],
                                  sem_sa).wait()

            @pl.when(jj < SUP - 2)
            def _prefetch():
                pltpu.async_copy(h_hbm.at[srcb.at[jj + 2]], rows_v, sem_ga)

            pltpu.async_copy(rows_b, acc_s.at[dstb.at[jj + 1]], sem_sb,
                             add=True)
            _hist_update(jj + 1, dstb)

        pltpu.make_async_copy(rows_b, acc_s.at[dstb.at[0]], sem_sb).wait()

    nsup = J // SUP
    base0 = wid * J
    pltpu.async_copy(src_hbm.at[pl.ds(base0, SUP)], src_a, sem_ia)
    pltpu.async_copy(dst_hbm.at[pl.ds(base0, SUP)], dst_a, sem_ia)

    @pl.loop(0, nsup // 2)
    def _super_pair(sp):
        base_a = wid * J + sp * 2 * SUP
        base_b = base_a + SUP
        pltpu.make_async_copy(src_hbm.at[pl.ds(base_a, SUP)], src_a,
                              sem_ia).wait()
        pltpu.make_async_copy(dst_hbm.at[pl.ds(base_a, SUP)], dst_a,
                              sem_ia).wait()
        pltpu.async_copy(src_hbm.at[pl.ds(base_b, SUP)], src_b, sem_ib)
        pltpu.async_copy(dst_hbm.at[pl.ds(base_b, SUP)], dst_b, sem_ib)
        pltpu.async_copy(h_hbm.at[src_a.at[0]], rows_v, sem_ga)
        _pair_loop(src_a, dst_a)
        pltpu.make_async_copy(src_hbm.at[pl.ds(base_b, SUP)], src_b,
                              sem_ib).wait()
        pltpu.make_async_copy(dst_hbm.at[pl.ds(base_b, SUP)], dst_b,
                              sem_ib).wait()

        @pl.when(sp < nsup // 2 - 1)
        def _prefetch_idx():
            nbase = base_a + 2 * SUP
            pltpu.async_copy(src_hbm.at[pl.ds(nbase, SUP)], src_a, sem_ia)
            pltpu.async_copy(dst_hbm.at[pl.ds(nbase, SUP)], dst_a, sem_ia)

        pltpu.async_copy(h_hbm.at[src_b.at[0]], rows_v, sem_ga)
        _pair_loop(src_b, dst_b)

    @pl.loop(0, H_ROWS, step=L)
    def _fill_fold(i):
        fold_v[pl.ds(i, L)] = lane + (H0 + i)

    pltpu.sync_copy(hist_v, acc_s.at[fold_v], add=True)

    plsc.subcore_barrier()

    pltpu.sync_copy(acc_s.at[pl.ds(base_row, ROWS_PER_SUB)],
                    p_out.at[c].at[pl.ds(base_row, ROWS_PER_SUB)])


_BLK = 2000


def _tc_body(p_ref, d_ref, w_ref, b_ref, o_ref):
    p = p_ref[0] + p_ref[1]
    pn = p / jnp.maximum(d_ref[...], 1.0)
    acc = lax.dot_general(pn, w_ref[...], (((1,), (1,)), ((), ())),
                          preferred_element_type=jnp.float32)
    o_ref[...] = acc + b_ref[...]


def _tc_finish(p_parts, degcol, W, b2):
    return pl.pallas_call(
        _tc_body,
        grid=(N_NODES // _BLK,),
        in_specs=[
            pl.BlockSpec((NC, _BLK, D), lambda i: (0, i, 0)),
            pl.BlockSpec((_BLK, 1), lambda i: (i, 0)),
            pl.BlockSpec((D, D), lambda i: (0, 0)),
            pl.BlockSpec((1, D), lambda i: (0, 0)),
        ],
        out_specs=pl.BlockSpec((_BLK, D), lambda i: (i, 0)),
        out_shape=jax.ShapeDtypeStruct((N_NODES, D), jnp.float32),
    )(p_parts, degcol, W, b2)


def kernel(h, edge_index, W, b):
    src = edge_index[0].astype(jnp.int32)
    dst = edge_index[1].astype(jnp.int32)
    pad = E_PAD - N_EDGES
    pad_iota = jnp.arange(pad, dtype=jnp.int32)
    src_p = jnp.concatenate([src, pad_iota % N_NODES]).reshape(-1, CHUNK)
    dst_p = jnp.concatenate(
        [dst, N_NODES + (pad_iota % (N_PAD - N_NODES))]).reshape(-1, CHUNK)
    p_parts = _sc_aggregate(src_p, dst_p, h)
    deg = p_parts[0, H0:H0 + H_ROWS] + p_parts[1, H0:H0 + H_ROWS]
    degcol = deg.reshape(H_ROWS * D)[:N_NODES, None]
    return _tc_finish(p_parts, degcol, W, b.reshape(1, D))

# --- scband reference (transcript-rebuilt; emitter-appended) ---
"""Pipeline reference for scband-custom-gcn-31877247271292 (READ-ONLY COPY).

The authoritative reference and input builder live on the scoring server;
editing this copy changes nothing except your own understanding.
"""

import jax, jax.numpy as jnp
import numpy as np

N_NODES = 10000
N_EDGES = 320000
D_IN = 128
D_OUT = 128


def setup_inputs(seed: int = 0) -> dict:
    key = jax.random.key(seed)
    k1, k2, k3, k4 = jax.random.split(key, 4)
    h = jax.random.normal(k1, (N_NODES, D_IN), dtype=jnp.float32)
    edge_index = jax.random.randint(k2, (2, N_EDGES), 0, N_NODES, dtype=jnp.int64)
    # Linear layer params (nn.Linear(in_f, out_f)): W is [out_f, in_f], b is [out_f]
    W = jax.random.normal(k3, (D_OUT, D_IN), dtype=jnp.float32) * (1.0 / np.sqrt(D_IN))
    b = jax.random.normal(k4, (D_OUT,), dtype=jnp.float32) * 0.01
    return {"h": h, "edge_index": edge_index, "W": W, "b": b}


def reference(h, edge_index, W, b):
    # DGL block with copy_u -> mean aggregation. Here the block is the full
    # graph: all N nodes are both src and dst (num_dst_nodes == N).
    src = edge_index[0]
    dst = edge_index[1]
    # message: m = h_src[src]  (gather)
    m = jnp.take(h, src, axis=0)
    # mean reduce by destination node (scatter-add + degree normalization)
    agg = jax.ops.segment_sum(m, dst, num_segments=N_NODES)
    deg = jax.ops.segment_sum(jnp.ones((src.shape[0],), dtype=jnp.float32), dst, num_segments=N_NODES)
    h_neigh = agg / jnp.maximum(deg, 1.0)[:, None]
    # self.W(h_neigh): linear layer
    return h_neigh @ W.T + b

if __name__ == "__main__":
    import jax
    _d = setup_inputs()
    print(jax.jit(kernel)(*tuple(_d.values())))

</pallas_src>

<mosaic_0001>
#map = affine_map<(d0, d1) -> (0, 0)>
#map1 = affine_map<(d0, d1) -> (0, 0, 0)>
module attributes {stable_mosaic.version = 14 : i64} {
  func.func @_sc_aggregate(%arg0: i32, %arg1: i32, %arg2: memref<2560x128xi32, #tpu.memory_space<hbm>>, %arg3: memref<2560x128xi32, #tpu.memory_space<hbm>>, %arg4: memref<10000x128xf32, #tpu.memory_space<hbm>>, %arg5: memref<2x10240x128xf32, #tpu.memory_space<hbm>>, %arg6: memref<128x128xf32, #tpu.memory_space<vmem>>, %arg7: memref<128x128xf32, #tpu.memory_space<vmem>>, %arg8: memref<80x128xf32, #tpu.memory_space<vmem>>, %arg9: memref<8x128xi32, #tpu.memory_space<vmem>>, %arg10: memref<8x128xi32, #tpu.memory_space<vmem>>, %arg11: memref<8x128xi32, #tpu.memory_space<vmem>>, %arg12: memref<8x128xi32, #tpu.memory_space<vmem>>, %arg13: memref<80xi32, #tpu.memory_space<vmem>>, %arg14: memref<10240x128xf32, #tpu.memory_space<vmem_shared>>, %arg15: memref<!tpu.dma_semaphore, #tpu.memory_space<semaphore_mem>>, %arg16: memref<!tpu.dma_semaphore, #tpu.memory_space<semaphore_mem>>, %arg17: memref<!tpu.dma_semaphore, #tpu.memory_space<semaphore_mem>>, %arg18: memref<!tpu.dma_semaphore, #tpu.memory_space<semaphore_mem>>, %arg19: memref<!tpu.dma_semaphore, #tpu.memory_space<semaphore_mem>>, %arg20: memref<!tpu.dma_semaphore, #tpu.memory_space<semaphore_mem>>) attributes {dimension_semantics = [#tpu.dimension_semantics<core_parallel>, #tpu.dimension_semantics<subcore_parallel>], iteration_bounds = array<i64: 2, 16>, scalar_prefetch = 0 : i64, scratch_operands = 15 : i64, tpu.core_type = #tpu.core_type<sc_vector_subcore>, window_params = [{transform_indices = #map}, {transform_indices = #map}, {transform_indices = #map}, {transform_indices = #map1}]} {
    %scan3A = arith.constant 0 : i32
    %scan3A_0 = arith.constant 128 : i32
    %scan3A_1 = arith.addi %scan3A, %scan3A_0 : i32
    %scan3A_2 = arith.constant 1 : i32
    scf.for %scan3A_43 = %scan3A to %scan3A_1 step %scan3A_2  : i32 {
      %mul3A_44 = arith.constant 1 : i32
      %mul3A_45 = arith.muli %scan3A_43, %mul3A_44 : i32
      %add3A_46 = arith.constant 0 : i32
      %add3A_47 = arith.addi %add3A_46, %mul3A_45 : i32
      %scan3A_48 = arith.constant 0 : i32
      %scan3A_49 = arith.constant 8 : i32
      %scan3A_50 = arith.addi %scan3A_48, %scan3A_49 : i32
      %scan3A_51 = arith.constant 1 : i32
      scf.for %scan3A_53 = %scan3A_48 to %scan3A_50 step %scan3A_51  : i32 {
        %mul3A_54 = arith.constant 16 : i32
        %mul3A_55 = arith.muli %scan3A_53, %mul3A_54 : i32
        %add3A_56 = arith.constant 0 : i32
        %add3A_57 = arith.addi %add3A_56, %mul3A_55 : i32
        %broadcast_in_dim3A_58 = arith.constant 0.000000e+00 : f32
        %broadcast_in_dim3A_59 = vector.broadcast %broadcast_in_dim3A_58 : f32 to vector<16xf32>
        %swap3A = arith.index_cast %add3A_47 : i32 to index
        %swap3A_60 = arith.index_cast %add3A_57 : i32 to index
        %swap3A_61 = tpu.vector_load %arg6[%swap3A, %swap3A_60] {strides = array<i32>} : memref<128x128xf32, #tpu.memory_space<vmem>>, vector<16xf32>,
        tpu.vector_store %arg6[%swap3A, %swap3A_60], %broadcast_in_dim3A_59 {strides = array<i32>} : memref<128x128xf32, #tpu.memory_space<vmem>>, vector<16xf32>,
      }
      %scan3A_52 = arith.constant 8 : i32
    }
    %scan3A_3 = arith.constant 128 : i32
    %scan3A_4 = arith.constant 0 : i32
    %scan3A_5 = arith.constant 80 : i32
    %scan3A_6 = arith.addi %scan3A_4, %scan3A_5 : i32
    %scan3A_7 = arith.constant 1 : i32
    scf.for %scan3A_43 = %scan3A_4 to %scan3A_6 step %scan3A_7  : i32 {
      %mul3A_44 = arith.constant 1 : i32
      %mul3A_45 = arith.muli %scan3A_43, %mul3A_44 : i32
      %add3A_46 = arith.constant 0 : i32
      %add3A_47 = arith.addi %add3A_46, %mul3A_45 : i32
      %scan3A_48 = arith.constant 0 : i32
      %scan3A_49 = arith.constant 8 : i32
      %scan3A_50 = arith.addi %scan3A_48, %scan3A_49 : i32
      %scan3A_51 = arith.constant 1 : i32
      scf.for %scan3A_53 = %scan3A_48 to %scan3A_50 step %scan3A_51  : i32 {
        %mul3A_54 = arith.constant 16 : i32
        %mul3A_55 = arith.muli %scan3A_53, %mul3A_54 : i32
        %add3A_56 = arith.constant 0 : i32
        %add3A_57 = arith.addi %add3A_56, %mul3A_55 : i32
        %broadcast_in_dim3A_58 = arith.constant 0.000000e+00 : f32
        %broadcast_in_dim3A_59 = vector.broadcast %broadcast_in_dim3A_58 : f32 to vector<16xf32>
        %swap3A = arith.index_cast %add3A_47 : i32 to index
        %swap3A_60 = arith.index_cast %add3A_57 : i32 to index
        %swap3A_61 = tpu.vector_load %arg8[%swap3A, %swap3A_60] {strides = array<i32>} : memref<80x128xf32, #tpu.memory_space<vmem>>, vector<16xf32>,
        tpu.vector_store %arg8[%swap3A, %swap3A_60], %broadcast_in_dim3A_59 {strides = array<i32>} : memref<80x128xf32, #tpu.memory_space<vmem>>, vector<16xf32>,
      }
      %scan3A_52 = arith.constant 8 : i32
    }
    %scan3A_8 = arith.constant 80 : i32
    %mul3A = arith.constant 640 : i32
    %mul3A_9 = arith.muli %arg1, %mul3A : i32
    %add3A = arith.constant 0 : i32
    %add3A_10 = arith.addi %mul3A_9, %add3A : i32
    "tpu.region"() ({
      %run_scoped3A = tpu.sem_alloc : memref<!tpu.dma_semaphore, #tpu.memory_space<semaphore_mem>>
      %dma_start3A_43 = arith.constant 0 : i32
      %dma_start3A_44 = tpu.memref_slice %arg14[%add3A_10, %dma_start3A_43] : memref<10240x128xf32, #tpu.memory_space<vmem_shared>> -> memref<128x128xf32, #tpu.memory_space<vmem_shared>>
      %dma_start3A_45 = arith.constant 0 : i32
      %dma_start3A_46 = tpu.memref_slice %arg14[%add3A_10, %dma_start3A_45] : memref<10240x128xf32, #tpu.memory_space<vmem_shared>> -> memref<128x128xf32, #tpu.memory_space<vmem_shared>>
      tpu.enqueue_dma source(%arg6 : memref<128x128xf32, #tpu.memory_space<vmem>>) target(%dma_start3A_46 : memref<128x128xf32, #tpu.memory_space<vmem_shared>>) target_semaphore(%run_scoped3A : memref<!tpu.dma_semaphore, #tpu.memory_space<semaphore_mem>>)
      %dma_wait3A = arith.constant 0 : i32
      %dma_wait3A_47 = tpu.memref_slice %arg14[%add3A_10, %dma_wait3A] : memref<10240x128xf32, #tpu.memory_space<vmem_shared>> -> memref<128x128xf32, #tpu.memory_space<vmem_shared>>
      %dma_wait3A_48 = arith.constant 0 : i32
      %dma_wait3A_49 = tpu.memref_slice %arg14[%add3A_10, %dma_wait3A_48] : memref<10240x128xf32, #tpu.memory_space<vmem_shared>> -> memref<128x128xf32, #tpu.memory_space<vmem_shared>>
      tpu.wait_dma2 semaphore(%run_scoped3A : memref<!tpu.dma_semaphore, #tpu.memory_space<semaphore_mem>>) src(%arg6 : memref<128x128xf32, #tpu.memory_space<vmem>>) dst(%dma_wait3A_49 : memref<128x128xf32, #tpu.memory_space<vmem_shared>>)
      tpu.yield
    }) : () -> ()
    %add3A_11 = arith.constant 128 : i32
    %add3A_12 = arith.addi %mul3A_9, %add3A_11 : i32
    "tpu.region"() ({
      %run_scoped3A = tpu.sem_alloc : memref<!tpu.dma_semaphore, #tpu.memory_space<semaphore_mem>>
      %dma_start3A_43 = arith.constant 0 : i32
      %dma_start3A_44 = tpu.memref_slice %arg14[%add3A_12, %dma_start3A_43] : memref<10240x128xf32, #tpu.memory_space<vmem_shared>> -> memref<128x128xf32, #tpu.memory_space<vmem_shared>>
      %dma_start3A_45 = arith.constant 0 : i32
      %dma_start3A_46 = tpu.memref_slice %arg14[%add3A_12, %dma_start3A_45] : memref<10240x128xf32, #tpu.memory_space<vmem_shared>> -> memref<128x128xf32, #tpu.memory_space<vmem_shared>>
      tpu.enqueue_dma source(%arg6 : memref<128x128xf32, #tpu.memory_space<vmem>>) target(%dma_start3A_46 : memref<128x128xf32, #tpu.memory_space<vmem_shared>>) target_semaphore(%run_scoped3A : memref<!tpu.dma_semaphore, #tpu.memory_space<semaphore_mem>>)
      %dma_wait3A = arith.constant 0 : i32
      %dma_wait3A_47 = tpu.memref_slice %arg14[%add3A_12, %dma_wait3A] : memref<10240x128xf32, #tpu.memory_space<vmem_shared>> -> memref<128x128xf32, #tpu.memory_space<vmem_shared>>
      %dma_wait3A_48 = arith.constant 0 : i32
      %dma_wait3A_49 = tpu.memref_slice %arg14[%add3A_12, %dma_wait3A_48] : memref<10240x128xf32, #tpu.memory_space<vmem_shared>> -> memref<128x128xf32, #tpu.memory_space<vmem_shared>>
      tpu.wait_dma2 semaphore(%run_scoped3A : memref<!tpu.dma_semaphore, #tpu.memory_space<semaphore_mem>>) src(%arg6 : memref<128x128xf32, #tpu.memory_space<vmem>>) dst(%dma_wait3A_49 : memref<128x128xf32, #tpu.memory_space<vmem_shared>>)
      tpu.yield
    }) : () -> ()
    %add3A_13 = arith.constant 256 : i32
    %add3A_14 = arith.addi %mul3A_9, %add3A_13 : i32
    "tpu.region"() ({
      %run_scoped3A = tpu.sem_alloc : memref<!tpu.dma_semaphore, #tpu.memory_space<semaphore_mem>>
      %dma_start3A_43 = arith.constant 0 : i32
      %dma_start3A_44 = tpu.memref_slice %arg14[%add3A_14, %dma_start3A_43] : memref<10240x128xf32, #tpu.memory_space<vmem_shared>> -> memref<128x128xf32, #tpu.memory_space<vmem_shared>>
      %dma_start3A_45 = arith.constant 0 : i32
      %dma_start3A_46 = tpu.memref_slice %arg14[%add3A_14, %dma_start3A_45] : memref<10240x128xf32, #tpu.memory_space<vmem_shared>> -> memref<128x128xf32, #tpu.memory_space<vmem_shared>>
      tpu.enqueue_dma source(%arg6 : memref<128x128xf32, #tpu.memory_space<vmem>>) target(%dma_start3A_46 : memref<128x128xf32, #tpu.memory_space<vmem_shared>>) target_semaphore(%run_scoped3A : memref<!tpu.dma_semaphore, #tpu.memory_space<semaphore_mem>>)
      %dma_wait3A = arith.constant 0 : i32
      %dma_wait3A_47 = tpu.memref_slice %arg14[%add3A_14, %dma_wait3A] : memref<10240x128xf32, #tpu.memory_space<vmem_shared>> -> memref<128x128xf32, #tpu.memory_space<vmem_shared>>
      %dma_wait3A_48 = arith.constant 0 : i32
      %dma_wait3A_49 = tpu.memref_slice %arg14[%add3A_14, %dma_wait3A_48] : memref<10240x128xf32, #tpu.memory_space<vmem_shared>> -> memref<128x128xf32, #tpu.memory_space<vmem_shared>>
      tpu.wait_dma2 semaphore(%run_scoped3A : memref<!tpu.dma_semaphore, #tpu.memory_space<semaphore_mem>>) src(%arg6 : memref<128x128xf32, #tpu.memory_space<vmem>>) dst(%dma_wait3A_49 : memref<128x128xf32, #tpu.memory_space<vmem_shared>>)
      tpu.yield
    }) : () -> ()
    %add3A_15 = arith.constant 384 : i32
    %add3A_16 = arith.addi %mul3A_9, %add3A_15 : i32
    "tpu.region"() ({
      %run_scoped3A = tpu.sem_alloc : memref<!tpu.dma_semaphore, #tpu.memory_space<semaphore_mem>>
      %dma_start3A_43 = arith.constant 0 : i32
      %dma_start3A_44 = tpu.memref_slice %arg14[%add3A_16, %dma_start3A_43] : memref<10240x128xf32, #tpu.memory_space<vmem_shared>> -> memref<128x128xf32, #tpu.memory_space<vmem_shared>>
      %dma_start3A_45 = arith.constant 0 : i32
      %dma_start3A_46 = tpu.memref_slice %arg14[%add3A_16, %dma_start3A_45] : memref<10240x128xf32, #tpu.memory_space<vmem_shared>> -> memref<128x128xf32, #tpu.memory_space<vmem_shared>>
      tpu.enqueue_dma source(%arg6 : memref<128x128xf32, #tpu.memory_space<vmem>>) target(%dma_start3A_46 : memref<128x128xf32, #tpu.memory_space<vmem_shared>>) target_semaphore(%run_scoped3A : memref<!tpu.dma_semaphore, #tpu.memory_space<semaphore_mem>>)
      %dma_wait3A = arith.constant 0 : i32
      %dma_wait3A_47 = tpu.memref_slice %arg14[%add3A_16, %dma_wait3A] : memref<10240x128xf32, #tpu.memory_space<vmem_shared>> -> memref<128x128xf32, #tpu.memory_space<vmem_shared>>
      %dma_wait3A_48 = arith.constant 0 : i32
      %dma_wait3A_49 = tpu.memref_slice %arg14[%add3A_16, %dma_wait3A_48] : memref<10240x128xf32, #tpu.memory_space<vmem_shared>> -> memref<128x128xf32, #tpu.memory_space<vmem_shared>>
      tpu.wait_dma2 semaphore(%run_scoped3A : memref<!tpu.dma_semaphore, #tpu.memory_space<semaphore_mem>>) src(%arg6 : memref<128x128xf32, #tpu.memory_space<vmem>>) dst(%dma_wait3A_49 : memref<128x128xf32, #tpu.memory_space<vmem_shared>>)
      tpu.yield
    }) : () -> ()
    %add3A_17 = arith.constant 512 : i32
    %add3A_18 = arith.addi %mul3A_9, %add3A_17 : i32
    "tpu.region"() ({
      %run_scoped3A = tpu.sem_alloc : memref<!tpu.dma_semaphore, #tpu.memory_space<semaphore_mem>>
      %dma_start3A_43 = arith.constant 0 : i32
      %dma_start3A_44 = tpu.memref_slice %arg14[%add3A_18, %dma_start3A_43] : memref<10240x128xf32, #tpu.memory_space<vmem_shared>> -> memref<128x128xf32, #tpu.memory_space<vmem_shared>>
      %dma_start3A_45 = arith.constant 0 : i32
      %dma_start3A_46 = tpu.memref_slice %arg14[%add3A_18, %dma_start3A_45] : memref<10240x128xf32, #tpu.memory_space<vmem_shared>> -> memref<128x128xf32, #tpu.memory_space<vmem_shared>>
      tpu.enqueue_dma source(%arg6 : memref<128x128xf32, #tpu.memory_space<vmem>>) target(%dma_start3A_46 : memref<128x128xf32, #tpu.memory_space<vmem_shared>>) target_semaphore(%run_scoped3A : memref<!tpu.dma_semaphore, #tpu.memory_space<semaphore_mem>>)
      %dma_wait3A = arith.constant 0 : i32
      %dma_wait3A_47 = tpu.memref_slice %arg14[%add3A_18, %dma_wait3A] : memref<10240x128xf32, #tpu.memory_space<vmem_shared>> -> memref<128x128xf32, #tpu.memory_space<vmem_shared>>
      %dma_wait3A_48 = arith.constant 0 : i32
      %dma_wait3A_49 = tpu.memref_slice %arg14[%add3A_18, %dma_wait3A_48] : memref<10240x128xf32, #tpu.memory_space<vmem_shared>> -> memref<128x128xf32, #tpu.memory_space<vmem_shared>>
      tpu.wait_dma2 semaphore(%run_scoped3A : memref<!tpu.dma_semaphore, #tpu.memory_space<semaphore_mem>>) src(%arg6 : memref<128x128xf32, #tpu.memory_space<vmem>>) dst(%dma_wait3A_49 : memref<128x128xf32, #tpu.memory_space<vmem_shared>>)
      tpu.yield
    }) : () -> ()
    %barrier3A = arith.constant 0 : index
    tpu.barrier barrier_id(%barrier3A)
    %mul3A_19 = arith.constant 16 : i32
    %mul3A_20 = arith.muli %arg0, %mul3A_19 : i32
    %add3A_21 = arith.addi %mul3A_20, %arg1 : i32
    %iota3A = tpu.iota {dimensions = array<i32: 0>} : vector<16xi32>
    %broadcast_in_dim3A = arith.constant 1.000000e+00 : f32
    %broadcast_in_dim3A_22 = vector.broadcast %broadcast_in_dim3A : f32 to vector<16xf32>
    %mul3A_23 = arith.constant 80 : i32
    %mul3A_24 = arith.muli %add3A_21, %mul3A_23 : i32
    %dma_start3A = arith.constant 0 : i32
    %dma_start3A_25 = tpu.memref_slice %arg2[%mul3A_24, %dma_start3A] : memref<2560x128xi32, #tpu.memory_space<hbm>> -> memref<8x128xi32, #tpu.memory_space<hbm>>
    %dma_start3A_26 = arith.constant 0 : i32
    %dma_start3A_27 = tpu.memref_slice %arg2[%mul3A_24, %dma_start3A_26] : memref<2560x128xi32, #tpu.memory_space<hbm>> -> memref<8x128xi32, #tpu.memory_space<hbm>>
    tpu.enqueue_dma source(%dma_start3A_27 : memref<8x128xi32, #tpu.memory_space<hbm>>) target(%arg9 : memref<8x128xi32, #tpu.memory_space<vmem>>) target_semaphore(%arg19 : memref<!tpu.dma_semaphore, #tpu.memory_space<semaphore_mem>>)
    %dma_start3A_28 = arith.constant 0 : i32
    %dma_start3A_29 = tpu.memref_slice %arg3[%mul3A_24, %dma_start3A_28] : memref<2560x128xi32, #tpu.memory_space<hbm>> -> memref<8x128xi32, #tpu.memory_space<hbm>>
    %dma_start3A_30 = arith.constant 0 : i32
    %dma_start3A_31 = tpu.memref_slice %arg3[%mul3A_24, %dma_start3A_30] : memref<2560x128xi32, #tpu.memory_space<hbm>> -> memref<8x128xi32, #tpu.memory_space<hbm>>
    tpu.enqueue_dma source(%dma_start3A_31 : memref<8x128xi32, #tpu.memory_space<hbm>>) target(%arg10 : memref<8x128xi32, #tpu.memory_space<vmem>>) target_semaphore(%arg19 : memref<!tpu.dma_semaphore, #tpu.memory_space<semaphore_mem>>)
    %scan3A_32 = arith.constant 0 : i32
    %scan3A_33 = arith.constant 5 : i32
    %scan3A_34 = arith.addi %scan3A_32, %scan3A_33 : i32
    %scan3A_35 = arith.constant 1 : i32
    scf.for %scan3A_43 = %scan3A_32 to %scan3A_34 step %scan3A_35  : i32 {
      %mul3A_44 = arith.constant 1 : i32
      %mul3A_45 = arith.muli %scan3A_43, %mul3A_44 : i32
      %add3A_46 = arith.constant 0 : i32
      %add3A_47 = arith.addi %add3A_46, %mul3A_45 : i32
      %mul3A_48 = arith.constant 80 : i32
      %mul3A_49 = arith.muli %add3A_21, %mul3A_48 : i32
      %mul3A_50 = arith.constant 2 : i32
      %mul3A_51 = arith.muli %add3A_47, %mul3A_50 : i32
      %mul3A_52 = arith.constant 8 : i32
      %mul3A_53 = arith.muli %mul3A_51, %mul3A_52 : i32
      %add3A_54 = arith.addi %mul3A_49, %mul3A_53 : i32
      %add3A_55 = arith.constant 8 : i32
      %add3A_56 = arith.addi %add3A_54, %add3A_55 : i32
      %dma_wait3A = arith.constant 0 : i32
      %dma_wait3A_57 = tpu.memref_slice %arg2[%add3A_54, %dma_wait3A] : memref<2560x128xi32, #tpu.memory_space<hbm>> -> memref<8x128xi32, #tpu.memory_space<hbm>>
      %dma_wait3A_58 = arith.constant 0 : i32
      %dma_wait3A_59 = tpu.memref_slice %arg2[%add3A_54, %dma_wait3A_58] : memref<2560x128xi32, #tpu.memory_space<hbm>> -> memref<8x128xi32, #tpu.memory_space<hbm>>
      tpu.wait_dma2 semaphore(%arg19 : memref<!tpu.dma_semaphore, #tpu.memory_space<semaphore_mem>>) src(%dma_wait3A_59 : memref<8x128xi32, #tpu.memory_space<hbm>>) dst(%arg9 : memref<8x128xi32, #tpu.memory_space<vmem>>)
      %dma_wait3A_60 = arith.constant 0 : i32
      %dma_wait3A_61 = tpu.memref_slice %arg3[%add3A_54, %dma_wait3A_60] : memref<2560x128xi32, #tpu.memory_space<hbm>> -> memref<8x128xi32, #tpu.memory_space<hbm>>
      %dma_wait3A_62 = arith.constant 0 : i32
      %dma_wait3A_63 = tpu.memref_slice %arg3[%add3A_54, %dma_wait3A_62] : memref<2560x128xi32, #tpu.memory_space<hbm>> -> memref<8x128xi32, #tpu.memory_space<hbm>>
      tpu.wait_dma2 semaphore(%arg19 : memref<!tpu.dma_semaphore, #tpu.memory_space<semaphore_mem>>) src(%dma_wait3A_63 : memref<8x128xi32, #tpu.memory_space<hbm>>) dst(%arg10 : memref<8x128xi32, #tpu.memory_space<vmem>>)
      %dma_start3A_64 = arith.constant 0 : i32
      %dma_start3A_65 = tpu.memref_slice %arg2[%add3A_56, %dma_start3A_64] : memref<2560x128xi32, #tpu.memory_space<hbm>> -> memref<8x128xi32, #tpu.memory_space<hbm>>
      %dma_start3A_66 = arith.constant 0 : i32
      %dma_start3A_67 = tpu.memref_slice %arg2[%add3A_56, %dma_start3A_66] : memref<2560x128xi32, #tpu.memory_space<hbm>> -> memref<8x128xi32, #tpu.memory_space<hbm>>
      tpu.enqueue_dma source(%dma_start3A_67 : memref<8x128xi32, #tpu.memory_space<hbm>>) target(%arg11 : memref<8x128xi32, #tpu.memory_space<vmem>>) target_semaphore(%arg20 : memref<!tpu.dma_semaphore, #tpu.memory_space<semaphore_mem>>)
      %dma_start3A_68 = arith.constant 0 : i32
      %dma_start3A_69 = tpu.memref_slice %arg3[%add3A_56, %dma_start3A_68] : memref<2560x128xi32, #tpu.memory_space<hbm>> -> memref<8x128xi32, #tpu.memory_space<hbm>>
      %dma_start3A_70 = arith.constant 0 : i32
      %dma_start3A_71 = tpu.memref_slice %arg3[%add3A_56, %dma_start3A_70] : memref<2560x128xi32, #tpu.memory_space<hbm>> -> memref<8x128xi32, #tpu.memory_space<hbm>>
      tpu.enqueue_dma source(%dma_start3A_71 : memref<8x128xi32, #tpu.memory_space<hbm>>) target(%arg12 : memref<8x128xi32, #tpu.memory_space<vmem>>) target_semaphore(%arg20 : memref<!tpu.dma_semaphore, #tpu.memory_space<semaphore_mem>>)
      %dma_start3A_72 = arith.constant 0 : i32
      %dma_start3A_73 = arith.constant 0 : i32
      %dma_start3A_74 = tpu.memref_slice %arg9[%dma_start3A_72, %dma_start3A_73] : memref<8x128xi32, #tpu.memory_space<vmem>> -> memref<1x128xi32, #tpu.memory_space<vmem>>
      %dma_start3A_75 = tpu.memref_squeeze %dma_start3A_74 : memref<1x128xi32, #tpu.memory_space<vmem>> -> memref<128xi32, #tpu.memory_space<vmem>>
      %dma_start3A_76 = arith.constant 0 : i32
      %dma_start3A_77 = arith.constant 0 : i32
      %dma_start3A_78 = tpu.memref_slice %arg4[%dma_start3A_76, %dma_start3A_77] : memref<10000x128xf32, #tpu.memory_space<hbm>> -> memref<10000x128xf32, #tpu.memory_space<hbm>>
      tpu.enqueue_indirect_dma source(%dma_start3A_78 : memref<10000x128xf32, #tpu.memory_space<hbm>>) target(%arg6 : memref<128x128xf32, #tpu.memory_space<vmem>>) offsets(%dma_start3A_75 : memref<128xi32, #tpu.memory_space<vmem>>) semaphore(%arg15 : memref<!tpu.dma_semaphore, #tpu.memory_space<semaphore_mem>>)
      %scan3A_79 = arith.constant 0 : i32
      %scan3A_80 = arith.constant 4 : i32
      %scan3A_81 = arith.addi %scan3A_79, %scan3A_80 : i32
      %scan3A_82 = arith.constant 1 : i32
      scf.for %scan3A_120 = %scan3A_79 to %scan3A_81 step %scan3A_82  : i32 {
        %mul3A_121 = arith.constant 2 : i32
        %mul3A_122 = arith.muli %scan3A_120, %mul3A_121 : i32
        %add3A_123 = arith.constant 0 : i32
        %add3A_124 = arith.addi %add3A_123, %mul3A_122 : i32
        %dma_wait3A_125 = arith.constant 0 : i32
        %dma_wait3A_126 = tpu.memref_slice %arg9[%add3A_124, %dma_wait3A_125] : memref<8x128xi32, #tpu.memory_space<vmem>> -> memref<1x128xi32, #tpu.memory_space<vmem>>
        %dma_wait3A_127 = tpu.memref_squeeze %dma_wait3A_126 : memref<1x128xi32, #tpu.memory_space<vmem>> -> memref<128xi32, #tpu.memory_space<vmem>>
        %dma_wait3A_128 = arith.constant 0 : i32
        %dma_wait3A_129 = arith.constant 0 : i32
        %dma_wait3A_130 = tpu.memref_slice %arg4[%dma_wait3A_128, %dma_wait3A_129] : memref<10000x128xf32, #tpu.memory_space<hbm>> -> memref<10000x128xf32, #tpu.memory_space<hbm>>
        tpu.wait_indirect_dma semaphore(%arg15 : memref<!tpu.dma_semaphore, #tpu.memory_space<semaphore_mem>>) src(%dma_wait3A_130 : memref<10000x128xf32, #tpu.memory_space<hbm>>) dst(%arg6 : memref<128x128xf32, #tpu.memory_space<vmem>>)
        %gt3A = arith.constant 0 : i32
        %gt3A_131 = arith.cmpi sgt, %add3A_124, %gt3A : i32
        %convert_element_type3A_132 = arith.extui %gt3A_131 : i1 to i32
        %cond3A_133 = arith.constant 0 : i32
        %cond3A_134 = arith.cmpi ne, %convert_element_type3A_132, %cond3A_133 : i32
        scf.if %cond3A_134 {
          %dma_wait3A_319 = arith.constant 0 : i32
          %dma_wait3A_320 = tpu.memref_slice %arg10[%add3A_124, %dma_wait3A_319] : memref<8x128xi32, #tpu.memory_space<vmem>> -> memref<1x128xi32, #tpu.memory_space<vmem>>
          %dma_wait3A_321 = tpu.memref_squeeze %dma_wait3A_320 : memref<1x128xi32, #tpu.memory_space<vmem>> -> memref<128xi32, #tpu.memory_space<vmem>>
          %dma_wait3A_322 = arith.constant 0 : i32
          %dma_wait3A_323 = arith.constant 0 : i32
          %dma_wait3A_324 = tpu.memref_slice %arg14[%dma_wait3A_322, %dma_wait3A_323] : memref<10240x128xf32, #tpu.memory_space<vmem_shared>> -> memref<10240x128xf32, #tpu.memory_space<vmem_shared>>
          tpu.wait_indirect_dma semaphore(%arg18 : memref<!tpu.dma_semaphore, #tpu.memory_space<semaphore_mem>>) src(%arg7 : memref<128x128xf32, #tpu.memory_space<vmem>>) dst(%dma_wait3A_324 : memref<10240x128xf32, #tpu.memory_space<vmem_shared>>)
        } else {
        }
        %add3A_135 = arith.constant 1 : i32
        %add3A_136 = arith.addi %add3A_124, %add3A_135 : i32
        %dma_start3A_137 = arith.constant 0 : i32
        %dma_start3A_138 = tpu.memref_slice %arg9[%add3A_136, %dma_start3A_137] : memref<8x128xi32, #tpu.memory_space<vmem>> -> memref<1x128xi32, #tpu.memory_space<vmem>>
        %dma_start3A_139 = tpu.memref_squeeze %dma_start3A_138 : memref<1x128xi32, #tpu.memory_space<vmem>> -> memref<128xi32, #tpu.memory_space<vmem>>
        %dma_start3A_140 = arith.constant 0 : i32
        %dma_start3A_141 = arith.constant 0 : i32
        %dma_start3A_142 = tpu.memref_slice %arg4[%dma_start3A_140, %dma_start3A_141] : memref<10000x128xf32, #tpu.memory_space<hbm>> -> memref<10000x128xf32, #tpu.memory_space<hbm>>
        tpu.enqueue_indirect_dma source(%dma_start3A_142 : memref<10000x128xf32, #tpu.memory_space<hbm>>) target(%arg7 : memref<128x128xf32, #tpu.memory_space<vmem>>) offsets(%dma_start3A_139 : memref<128xi32, #tpu.memory_space<vmem>>) semaphore(%arg16 : memref<!tpu.dma_semaphore, #tpu.memory_space<semaphore_mem>>)
        %dma_start3A_143 = arith.constant 0 : i32
        %dma_start3A_144 = tpu.memref_slice %arg10[%add3A_124, %dma_start3A_143] : memref<8x128xi32, #tpu.memory_space<vmem>> -> memref<1x128xi32, #tpu.memory_space<vmem>>
        %dma_start3A_145 = tpu.memref_squeeze %dma_start3A_144 : memref<1x128xi32, #tpu.memory_space<vmem>> -> memref<128xi32, #tpu.memory_space<vmem>>
        %dma_start3A_146 = arith.constant 0 : i32
        %dma_start3A_147 = arith.constant 0 : i32
        %dma_start3A_148 = tpu.memref_slice %arg14[%dma_start3A_146, %dma_start3A_147] : memref<10240x128xf32, #tpu.memory_space<vmem_shared>> -> memref<10240x128xf32, #tpu.memory_space<vmem_shared>>
        tpu.enqueue_indirect_dma source(%arg6 : memref<128x128xf32, #tpu.memory_space<vmem>>) target(%dma_start3A_148 : memref<10240x128xf32, #tpu.memory_space<vmem_shared>>) offsets(%dma_start3A_145 : memref<128xi32, #tpu.memory_space<vmem>>) semaphore(%arg17 : memref<!tpu.dma_semaphore, #tpu.memory_space<semaphore_mem>>) {add = true}
        %get3A = arith.index_cast %add3A_124 : i32 to index
        %get3A_149 = arith.constant 0 : index
        %get3A_150 = tpu.vector_load %arg10[%get3A, %get3A_149] {strides = array<i32>} : memref<8x128xi32, #tpu.memory_space<vmem>>, vector<16xi32>,
        %shift_right_logical3A = arith.constant 7 : i32
        %shift_right_logical3A_151 = vector.broadcast %shift_right_logical3A : i32 to vector<16xi32>
        %shift_right_logical3A_152 = arith.shrui %get3A_150, %shift_right_logical3A_151 : vector<16xi32>
        %and3A = arith.constant 127 : i32
        %and3A_153 = vector.broadcast %and3A : i32 to vector<16xi32>
        %and3A_154 = arith.andi %get3A_150, %and3A_153 : vector<16xi32>
        tpu.vector_store_idx %arg8[%shift_right_logical3A_152, %and3A_154], %broadcast_in_dim3A_22 {add = true} : memref<80x128xf32, #tpu.memory_space<vmem>>[vector<16xi32>, vector<16xi32>], vector<16xf32>,
        %get3A_155 = arith.index_cast %add3A_124 : i32 to index
        %get3A_156 = arith.constant 16 : index
        %get3A_157 = tpu.vector_load %arg10[%get3A_155, %get3A_156] {strides = array<i32>} : memref<8x128xi32, #tpu.memory_space<vmem>>, vector<16xi32>,
        %shift_right_logical3A_158 = arith.constant 7 : i32
        %shift_right_logical3A_159 = vector.broadcast %shift_right_logical3A_158 : i32 to vector<16xi32>
        %shift_right_logical3A_160 = arith.shrui %get3A_157, %shift_right_logical3A_159 : vector<16xi32>
        %and3A_161 = arith.constant 127 : i32
        %and3A_162 = vector.broadcast %and3A_161 : i32 to vector<16xi32>
        %and3A_163 = arith.andi %get3A_157, %and3A_162 : vector<16xi32>
        tpu.vector_store_idx %arg8[%shift_right_logical3A_160, %and3A_163], %broadcast_in_dim3A_22 {add = true} : memref<80x128xf32, #tpu.memory_space<vmem>>[vector<16xi32>, vector<16xi32>], vector<16xf32>,
        %get3A_164 = arith.index_cast %add3A_124 : i32 to index
        %get3A_165 = arith.constant 32 : index
        %get3A_166 = tpu.vector_load %arg10[%get3A_164, %get3A_165] {strides = array<i32>} : memref<8x128xi32, #tpu.memory_space<vmem>>, vector<16xi32>,
        %shift_right_logical3A_167 = arith.constant 7 : i32
        %shift_right_logical3A_168 = vector.broadcast %shift_right_logical3A_167 : i32 to vector<16xi32>
        %shift_right_logical3A_169 = arith.shrui %get3A_166, %shift_right_logical3A_168 : vector<16xi32>
        %and3A_170 = arith.constant 127 : i32
        %and3A_171 = vector.broadcast %and3A_170 : i32 to vector<16xi32>
        %and3A_172 = arith.andi %get3A_166, %and3A_171 : vector<16xi32>
        tpu.vector_store_idx %arg8[%shift_right_logical3A_169, %and3A_172], %broadcast_in_dim3A_22 {add = true} : memref<80x128xf32, #tpu.memory_space<vmem>>[vector<16xi32>, vector<16xi32>], vector<16xf32>,
        %get3A_173 = arith.index_cast %add3A_124 : i32 to index
        %get3A_174 = arith.constant 48 : index
        %get3A_175 = tpu.vector_load %arg10[%get3A_173, %get3A_174] {strides = array<i32>} : memref<8x128xi32, #tpu.memory_space<vmem>>, vector<16xi32>,
        %shift_right_logical3A_176 = arith.constant 7 : i32
        %shift_right_logical3A_177 = vector.broadcast %shift_right_logical3A_176 : i32 to vector<16xi32>
        %shift_right_logical3A_178 = arith.shrui %get3A_175, %shift_right_logical3A_177 : vector<16xi32>
        %and3A_179 = arith.constant 127 : i32
        %and3A_180 = vector.broadcast %and3A_179 : i32 to vector<16xi32>
        %and3A_181 = arith.andi %get3A_175, %and3A_180 : vector<16xi32>
        tpu.vector_store_idx %arg8[%shift_right_logical3A_178, %and3A_181], %broadcast_in_dim3A_22 {add = true} : memref<80x128xf32, #tpu.memory_space<vmem>>[vector<16xi32>, vector<16xi32>], vector<16xf32>,
        %get3A_182 = arith.index_cast %add3A_124 : i32 to index
        %get3A_183 = arith.constant 64 : index
        %get3A_184 = tpu.vector_load %arg10[%get3A_182, %get3A_183] {strides = array<i32>} : memref<8x128xi32, #tpu.memory_space<vmem>>, vector<16xi32>,
        %shift_right_logical3A_185 = arith.constant 7 : i32
        %shift_right_logical3A_186 = vector.broadcast %shift_right_logical3A_185 : i32 to vector<16xi32>
        %shift_right_logical3A_187 = arith.shrui %get3A_184, %shift_right_logical3A_186 : vector<16xi32>
        %and3A_188 = arith.constant 127 : i32
        %and3A_189 = vector.broadcast %and3A_188 : i32 to vector<16xi32>
        %and3A_190 = arith.andi %get3A_184, %and3A_189 : vector<16xi32>
        tpu.vector_store_idx %arg8[%shift_right_logical3A_187, %and3A_190], %broadcast_in_dim3A_22 {add = true} : memref<80x128xf32, #tpu.memory_space<vmem>>[vector<16xi32>, vector<16xi32>], vector<16xf32>,
        %get3A_191 = arith.index_cast %add3A_124 : i32 to index
        %get3A_192 = arith.constant 80 : index
        %get3A_193 = tpu.vector_load %arg10[%get3A_191, %get3A_192] {strides = array<i32>} : memref<8x128xi32, #tpu.memory_space<vmem>>, vector<16xi32>,
        %shift_right_logical3A_194 = arith.constant 7 : i32
        %shift_right_logical3A_195 = vector.broadcast %shift_right_logical3A_194 : i32 to vector<16xi32>
        %shift_right_logical3A_196 = arith.shrui %get3A_193, %shift_right_logical3A_195 : vector<16xi32>
        %and3A_197 = arith.constant 127 : i32
        %and3A_198 = vector.broadcast %and3A_197 : i32 to vector<16xi32>
        %and3A_199 = arith.andi %get3A_193, %and3A_198 : vector<16xi32>
        tpu.vector_store_idx %arg8[%shift_right_logical3A_196, %and3A_199], %broadcast_in_dim3A_22 {add = true} : memref<80x128xf32, #tpu.memory_space<vmem>>[vector<16xi32>, vector<16xi32>], vector<16xf32>,
        %get3A_200 = arith.index_cast %add3A_124 : i32 to index
        %get3A_201 = arith.constant 96 : index
        %get3A_202 = tpu.vector_load %arg10[%get3A_200, %get3A_201] {strides = array<i32>} : memref<8x128xi32, #tpu.memory_space<vmem>>, vector<16xi32>,
        %shift_right_logical3A_203 = arith.constant 7 : i32
        %shift_right_logical3A_204 = vector.broadcast %shift_right_logical3A_203 : i32 to vector<16xi32>
        %shift_right_logical3A_205 = arith.shrui %get3A_202, %shift_right_logical3A_204 : vector<16xi32>
        %and3A_206 = arith.constant 127 : i32
        %and3A_207 = vector.broadcast %and3A_206 : i32 to vector<16xi32>
        %and3A_208 = arith.andi %get3A_202, %and3A_207 : vector<16xi32>
        tpu.vector_store_idx %arg8[%shift_right_logical3A_205, %and3A_208], %broadcast_in_dim3A_22 {add = true} : memref<80x128xf32, #tpu.memory_space<vmem>>[vector<16xi32>, vector<16xi32>], vector<16xf32>,
        %get3A_209 = arith.index_cast %add3A_124 : i32 to index
        %get3A_210 = arith.constant 112 : index
        %get3A_211 = tpu.vector_load %arg10[%get3A_209, %get3A_210] {strides = array<i32>} : memref<8x128xi32, #tpu.memory_space<vmem>>, vector<16xi32>,
        %shift_right_logical3A_212 = arith.constant 7 : i32
        %shift_right_logical3A_213 = vector.broadcast %shift_right_logical3A_212 : i32 to vector<16xi32>
        %shift_right_logical3A_214 = arith.shrui %get3A_211, %shift_right_logical3A_213 : vector<16xi32>
        %and3A_215 = arith.constant 127 : i32
        %and3A_216 = vector.broadcast %and3A_215 : i32 to vector<16xi32>
        %and3A_217 = arith.andi %get3A_211, %and3A_216 : vector<16xi32>
        tpu.vector_store_idx %arg8[%shift_right_logical3A_214, %and3A_217], %broadcast_in_dim3A_22 {add = true} : memref<80x128xf32, #tpu.memory_space<vmem>>[vector<16xi32>, vector<16xi32>], vector<16xf32>,
        %add3A_218 = arith.constant 1 : i32
        %add3A_219 = arith.addi %add3A_124, %add3A_218 : i32
        %dma_wait3A_220 = arith.constant 0 : i32
        %dma_wait3A_221 = tpu.memref_slice %arg9[%add3A_219, %dma_wait3A_220] : memref<8x128xi32, #tpu.memory_space<vmem>> -> memref<1x128xi32, #tpu.memory_space<vmem>>
        %dma_wait3A_222 = tpu.memref_squeeze %dma_wait3A_221 : memref<1x128xi32, #tpu.memory_space<vmem>> -> memref<128xi32, #tpu.memory_space<vmem>>
        %dma_wait3A_223 = arith.constant 0 : i32
        %dma_wait3A_224 = arith.constant 0 : i32
        %dma_wait3A_225 = tpu.memref_slice %arg4[%dma_wait3A_223, %dma_wait3A_224] : memref<10000x128xf32, #tpu.memory_space<hbm>> -> memref<10000x128xf32, #tpu.memory_space<hbm>>
        tpu.wait_indirect_dma semaphore(%arg16 : memref<!tpu.dma_semaphore, #tpu.memory_space<semaphore_mem>>) src(%dma_wait3A_225 : memref<10000x128xf32, #tpu.memory_space<hbm>>) dst(%arg7 : memref<128x128xf32, #tpu.memory_space<vmem>>)
        %dma_wait3A_226 = arith.constant 0 : i32
        %dma_wait3A_227 = tpu.memref_slice %arg10[%add3A_124, %dma_wait3A_226] : memref<8x128xi32, #tpu.memory_space<vmem>> -> memref<1x128xi32, #tpu.memory_space<vmem>>
        %dma_wait3A_228 = tpu.memref_squeeze %dma_wait3A_227 : memref<1x128xi32, #tpu.memory_space<vmem>> -> memref<128xi32, #tpu.memory_space<vmem>>
        %dma_wait3A_229 = arith.constant 0 : i32
        %dma_wait3A_230 = arith.constant 0 : i32
        %dma_wait3A_231 = tpu.memref_slice %arg14[%dma_wait3A_229, %dma_wait3A_230] : memref<10240x128xf32, #tpu.memory_space<vmem_shared>> -> memref<10240x128xf32, #tpu.memory_space<vmem_shared>>
        tpu.wait_indirect_dma semaphore(%arg17 : memref<!tpu.dma_semaphore, #tpu.memory_space<semaphore_mem>>) src(%arg6 : memref<128x128xf32, #tpu.memory_space<vmem>>) dst(%dma_wait3A_231 : memref<10240x128xf32, #tpu.memory_space<vmem_shared>>)
        %lt3A_232 = arith.constant 6 : i32
        %lt3A_233 = arith.cmpi slt, %add3A_124, %lt3A_232 : i32
        %convert_element_type3A_234 = arith.extui %lt3A_233 : i1 to i32
        %cond3A_235 = arith.constant 0 : i32
        %cond3A_236 = arith.cmpi ne, %convert_element_type3A_234, %cond3A_235 : i32
        scf.if %cond3A_236 {
          %add3A_319 = arith.constant 2 : i32
          %add3A_320 = arith.addi %add3A_124, %add3A_319 : i32
          %dma_start3A_321 = arith.constant 0 : i32
          %dma_start3A_322 = tpu.memref_slice %arg9[%add3A_320, %dma_start3A_321] : memref<8x128xi32, #tpu.memory_space<vmem>> -> memref<1x128xi32, #tpu.memory_space<vmem>>
          %dma_start3A_323 = tpu.memref_squeeze %dma_start3A_322 : memref<1x128xi32, #tpu.memory_space<vmem>> -> memref<128xi32, #tpu.memory_space<vmem>>
          %dma_start3A_324 = arith.constant 0 : i32
          %dma_start3A_325 = arith.constant 0 : i32
          %dma_start3A_326 = tpu.memref_slice %arg4[%dma_start3A_324, %dma_start3A_325] : memref<10000x128xf32, #tpu.memory_space<hbm>> -> memref<10000x128xf32, #tpu.memory_space<hbm>>
          tpu.enqueue_indirect_dma source(%dma_start3A_326 : memref<10000x128xf32, #tpu.memory_space<hbm>>) target(%arg6 : memref<128x128xf32, #tpu.memory_space<vmem>>) offsets(%dma_start3A_323 : memref<128xi32, #tpu.memory_space<vmem>>) semaphore(%arg15 : memref<!tpu.dma_semaphore, #tpu.memory_space<semaphore_mem>>)
        } else {
        }
        %add3A_237 = arith.constant 1 : i32
        %add3A_238 = arith.addi %add3A_124, %add3A_237 : i32
        %dma_start3A_239 = arith.constant 0 : i32
        %dma_start3A_240 = tpu.memref_slice %arg10[%add3A_238, %dma_start3A_239] : memref<8x128xi32, #tpu.memory_space<vmem>> -> memref<1x128xi32, #tpu.memory_space<vmem>>
        %dma_start3A_241 = tpu.memref_squeeze %dma_start3A_240 : memref<1x128xi32, #tpu.memory_space<vmem>> -> memref<128xi32, #tpu.memory_space<vmem>>
        %dma_start3A_242 = arith.constant 0 : i32
        %dma_start3A_243 = arith.constant 0 : i32
        %dma_start3A_244 = tpu.memref_slice %arg14[%dma_start3A_242, %dma_start3A_243] : memref<10240x128xf32, #tpu.memory_space<vmem_shared>> -> memref<10240x128xf32, #tpu.memory_space<vmem_shared>>
        tpu.enqueue_indirect_dma source(%arg7 : memref<128x128xf32, #tpu.memory_space<vmem>>) target(%dma_start3A_244 : memref<10240x128xf32, #tpu.memory_space<vmem_shared>>) offsets(%dma_start3A_241 : memref<128xi32, #tpu.memory_space<vmem>>) semaphore(%arg18 : memref<!tpu.dma_semaphore, #tpu.memory_space<semaphore_mem>>) {add = true}
        %add3A_245 = arith.constant 1 : i32
        %add3A_246 = arith.addi %add3A_124, %add3A_245 : i32
        %get3A_247 = arith.index_cast %add3A_246 : i32 to index
        %get3A_248 = arith.constant 0 : index
        %get3A_249 = tpu.vector_load %arg10[%get3A_247, %get3A_248] {strides = array<i32>} : memref<8x128xi32, #tpu.memory_space<vmem>>, vector<16xi32>,
        %shift_right_logical3A_250 = arith.constant 7 : i32
        %shift_right_logical3A_251 = vector.broadcast %shift_right_logical3A_250 : i32 to vector<16xi32>
        %shift_right_logical3A_252 = arith.shrui %get3A_249, %shift_right_logical3A_251 : vector<16xi32>
        %and3A_253 = arith.constant 127 : i32
        %and3A_254 = vector.broadcast %and3A_253 : i32 to vector<16xi32>
        %and3A_255 = arith.andi %get3A_249, %and3A_254 : vector<16xi32>
        tpu.vector_store_idx %arg8[%shift_right_logical3A_252, %and3A_255], %broadcast_in_dim3A_22 {add = true} : memref<80x128xf32, #tpu.memory_space<vmem>>[vector<16xi32>, vector<16xi32>], vector<16xf32>,
        %get3A_256 = arith.index_cast %add3A_246 : i32 to index
        %get3A_257 = arith.constant 16 : index
        %get3A_258 = tpu.vector_load %arg10[%get3A_256, %get3A_257] {strides = array<i32>} : memref<8x128xi32, #tpu.memory_space<vmem>>, vector<16xi32>,
        %shift_right_logical3A_259 = arith.constant 7 : i32
        %shift_right_logical3A_260 = vector.broadcast %shift_right_logical3A_259 : i32 to vector<16xi32>
        %shift_right_logical3A_261 = arith.shrui %get3A_258, %shift_right_logical3A_260 : vector<16xi32>
        %and3A_262 = arith.constant 127 : i32
        %and3A_263 = vector.broadcast %and3A_262 : i32 to vector<16xi32>
        %and3A_264 = arith.andi %get3A_258, %and3A_263 : vector<16xi32>
        tpu.vector_store_idx %arg8[%shift_right_logical3A_261, %and3A_264], %broadcast_in_dim3A_22 {add = true} : memref<80x128xf32, #tpu.memory_space<vmem>>[vector<16xi32>, vector<16xi32>], vector<16xf32>,
        %get3A_265 = arith.index_cast %add3A_246 : i32 to index
        %get3A_266 = arith.constant 32 : index
        %get3A_267 = tpu.vector_load %arg10[%get3A_265, %get3A_266] {strides = array<i32>} : memref<8x128xi32, #tpu.memory_space<vmem>>, vector<16xi32>,
        %shift_right_logical3A_268 = arith.constant 7 : i32
        %shift_right_logical3A_269 = vector.broadcast %shift_right_logical3A_268 : i32 to vector<16xi32>
        %shift_right_logical3A_270 = arith.shrui %get3A_267, %shift_right_logical3A_269 : vector<16xi32>
        %and3A_271 = arith.constant 127 : i32
        %and3A_272 = vector.broadcast %and3A_271 : i32 to vector<16xi32>
        %and3A_273 = arith.andi %get3A_267, %and3A_272 : vector<16xi32>
        tpu.vector_store_idx %arg8[%shift_right_logical3A_270, %and3A_273], %broadcast_in_dim3A_22 {add = true} : memref<80x128xf32, #tpu.memory_space<vmem>>[vector<16xi32>, vector<16xi32>], vector<16xf32>,
        %get3A_274 = arith.index_cast %add3A_246 : i32 to index
        %get3A_275 = arith.constant 48 : index
        %get3A_276 = tpu.vector_load %arg10[%get3A_274, %get3A_275] {strides = array<i32>} : memref<8x128xi32, #tpu.memory_space<vmem>>, vector<16xi32>,
        %shift_right_logical3A_277 = arith.constant 7 : i32
        %shift_right_logical3A_278 = vector.broadcast %shift_right_logical3A_277 : i32 to vector<16xi32>
        %shift_right_logical3A_279 = arith.shrui %get3A_276, %shift_right_logical3A_278 : vector<16xi32>
        %and3A_280 = arith.constant 127 : i32
        %and3A_281 = vector.broadcast %and3A_280 : i32 to vector<16xi32>
        %and3A_282 = arith.andi %get3A_276, %and3A_281 : vector<16xi32>
        tpu.vector_store_idx %arg8[%shift_right_logical3A_279, %and3A_282], %broadcast_in_dim3A_22 {add = true} : memref<80x128xf32, #tpu.memory_space<vmem>>[vector<16xi32>, vector<16xi32>], vector<16xf32>,
        %get3A_283 = arith.index_cast %add3A_246 : i32 to index
        %get3A_284 = arith.constant 64 : index
        %get3A_285 = tpu.vector_load %arg10[%get3A_283, %get3A_284] {strides = array<i32>} : memref<8x128xi32, #tpu.memory_space<vmem>>, vector<16xi32>,
        %shift_right_logical3A_286 = arith.constant 7 : i32
        %shift_right_logical3A_287 = vector.broadcast %shift_right_logical3A_286 : i32 to vector<16xi32>
        %shift_right_logical3A_288 = arith.shrui %get3A_285, %shift_right_logical3A_287 : vector<16xi32>
        %and3A_289 = arith.constant 127 : i32
        %and3A_290 = vector.broadcast %and3A_289 : i32 to vector<16xi32>
        %and3A_291 = arith.andi %get3A_285, %and3A_290 : vector<16xi32>
        tpu.vector_store_idx %arg8[%shift_right_logical3A_288, %and3A_291], %broadcast_in_dim3A_22 {add = true} : memref<80x128xf32, #tpu.memory_space<vmem>>[vector<16xi32>, vector<16xi32>], vector<16xf32>,
        %get3A_292 = arith.index_cast %add3A_246 : i32 to index
        %get3A_293 = arith.constant 80 : index
        %get3A_294 = tpu.vector_load %arg10[%get3A_292, %get3A_293] {strides = array<i32>} : memref<8x128xi32, #tpu.memory_space<vmem>>, vector<16xi32>,
        %shift_right_logical3A_295 = arith.constant 7 : i32
        %shift_right_logical3A_296 = vector.broadcast %shift_right_logical3A_295 : i32 to vector<16xi32>
        %shift_right_logical3A_297 = arith.shrui %get3A_294, %shift_right_logical3A_296 : vector<16xi32>
        %and3A_298 = arith.constant 127 : i32
        %and3A_299 = vector.broadcast %and3A_298 : i32 to vector<16xi32>
        %and3A_300 = arith.andi %get3A_294, %and3A_299 : vector<16xi32>
        tpu.vector_store_idx %arg8[%shift_right_logical3A_297, %and3A_300], %broadcast_in_dim3A_22 {add = true} : memref<80x128xf32, #tpu.memory_space<vmem>>[vector<16xi32>, vector<16xi32>], vector<16xf32>,
        %get3A_301 = arith.index_cast %add3A_246 : i32 to index
        %get3A_302 = arith.constant 96 : index
        %get3A_303 = tpu.vector_load %arg10[%get3A_301, %get3A_302] {strides = array<i32>} : memref<8x128xi32, #tpu.memory_space<vmem>>, vector<16xi32>,
        %shift_right_logical3A_304 = arith.constant 7 : i32
        %shift_right_logical3A_305 = vector.broadcast %shift_right_logical3A_304 : i32 to vector<16xi32>
        %shift_right_logical3A_306 = arith.shrui %get3A_303, %shift_right_logical3A_305 : vector<16xi32>
        %and3A_307 = arith.constant 127 : i32
        %and3A_308 = vector.broadcast %and3A_307 : i32 to vector<16xi32>
        %and3A_309 = arith.andi %get3A_303, %and3A_308 : vector<16xi32>
        tpu.vector_store_idx %arg8[%shift_right_logical3A_306, %and3A_309], %broadcast_in_dim3A_22 {add = true} : memref<80x128xf32, #tpu.memory_space<vmem>>[vector<16xi32>, vector<16xi32>], vector<16xf32>,
        %get3A_310 = arith.index_cast %add3A_246 : i32 to index
        %get3A_311 = arith.constant 112 : index
        %get3A_312 = tpu.vector_load %arg10[%get3A_310, %get3A_311] {strides = array<i32>} : memref<8x128xi32, #tpu.memory_space<vmem>>, vector<16xi32>,
        %shift_right_logical3A_313 = arith.constant 7 : i32
        %shift_right_logical3A_314 = vector.broadcast %shift_right_logical3A_313 : i32 to vector<16xi32>
        %shift_right_logical3A_315 = arith.shrui %get3A_312, %shift_right_logical3A_314 : vector<16xi32>
        %and3A_316 = arith.constant 127 : i32
        %and3A_317 = vector.broadcast %and3A_316 : i32 to vector<16xi32>
        %and3A_318 = arith.andi %get3A_312, %and3A_317 : vector<16xi32>
        tpu.vector_store_idx %arg8[%shift_right_logical3A_315, %and3A_318], %broadcast_in_dim3A_22 {add = true} : memref<80x128xf32, #tpu.memory_space<vmem>>[vector<16xi32>, vector<16xi32>], vector<16xf32>,
      }
      %scan3A_83 = arith.constant 4 : i32
      %dma_wait3A_84 = arith.constant 0 : i32
      %dma_wait3A_85 = arith.constant 0 : i32
      %dma_wait3A_86 = tpu.memref_slice %arg10[%dma_wait3A_84, %dma_wait3A_85] : memref<8x128xi32, #tpu.memory_space<vmem>> -> memref<1x128xi32, #tpu.memory_space<vmem>>
      %dma_wait3A_87 = tpu.memref_squeeze %dma_wait3A_86 : memref<1x128xi32, #tpu.memory_space<vmem>> -> memref<128xi32, #tpu.memory_space<vmem>>
      %dma_wait3A_88 = arith.constant 0 : i32
      %dma_wait3A_89 = arith.constant 0 : i32
      %dma_wait3A_90 = tpu.memref_slice %arg14[%dma_wait3A_88, %dma_wait3A_89] : memref<10240x128xf32, #tpu.memory_space<vmem_shared>> -> memref<10240x128xf32, #tpu.memory_space<vmem_shared>>
      tpu.wait_indirect_dma semaphore(%arg18 : memref<!tpu.dma_semaphore, #tpu.memory_space<semaphore_mem>>) src(%arg7 : memref<128x128xf32, #tpu.memory_space<vmem>>) dst(%dma_wait3A_90 : memref<10240x128xf32, #tpu.memory_space<vmem_shared>>)
      %dma_wait3A_91 = arith.constant 0 : i32
      %dma_wait3A_92 = tpu.memref_slice %arg2[%add3A_56, %dma_wait3A_91] : memref<2560x128xi32, #tpu.memory_space<hbm>> -> memref<8x128xi32, #tpu.memory_space<hbm>>
      %dma_wait3A_93 = arith.constant 0 : i32
      %dma_wait3A_94 = tpu.memref_slice %arg2[%add3A_56, %dma_wait3A_93] : memref<2560x128xi32, #tpu.memory_space<hbm>> -> memref<8x128xi32, #tpu.memory_space<hbm>>
      tpu.wait_dma2 semaphore(%arg20 : memref<!tpu.dma_semaphore, #tpu.memory_space<semaphore_mem>>) src(%dma_wait3A_94 : memref<8x128xi32, #tpu.memory_space<hbm>>) dst(%arg11 : memref<8x128xi32, #tpu.memory_space<vmem>>)
      %dma_wait3A_95 = arith.constant 0 : i32
      %dma_wait3A_96 = tpu.memref_slice %arg3[%add3A_56, %dma_wait3A_95] : memref<2560x128xi32, #tpu.memory_space<hbm>> -> memref<8x128xi32, #tpu.memory_space<hbm>>
      %dma_wait3A_97 = arith.constant 0 : i32
      %dma_wait3A_98 = tpu.memref_slice %arg3[%add3A_56, %dma_wait3A_97] : memref<2560x128xi32, #tpu.memory_space<hbm>> -> memref<8x128xi32, #tpu.memory_space<hbm>>
      tpu.wait_dma2 semaphore(%arg20 : memref<!tpu.dma_semaphore, #tpu.memory_space<semaphore_mem>>) src(%dma_wait3A_98 : memref<8x128xi32, #tpu.memory_space<hbm>>) dst(%arg12 : memref<8x128xi32, #tpu.memory_space<vmem>>)
      %lt3A = arith.constant 4 : i32
      %lt3A_99 = arith.cmpi slt, %add3A_47, %lt3A : i32
      %convert_element_type3A = arith.extui %lt3A_99 : i1 to i32
      %cond3A = arith.constant 0 : i32
      %cond3A_100 = arith.cmpi ne, %convert_element_type3A, %cond3A : i32
      scf.if %cond3A_100 {
        %add3A_120 = arith.constant 16 : i32
        %add3A_121 = arith.addi %add3A_54, %add3A_120 : i32
        %dma_start3A_122 = arith.constant 0 : i32
        %dma_start3A_123 = tpu.memref_slice %arg2[%add3A_121, %dma_start3A_122] : memref<2560x128xi32, #tpu.memory_space<hbm>> -> memref<8x128xi32, #tpu.memory_space<hbm>>
        %dma_start3A_124 = arith.constant 0 : i32
        %dma_start3A_125 = tpu.memref_slice %arg2[%add3A_121, %dma_start3A_124] : memref<2560x128xi32, #tpu.memory_space<hbm>> -> memref<8x128xi32, #tpu.memory_space<hbm>>
        tpu.enqueue_dma source(%dma_start3A_125 : memref<8x128xi32, #tpu.memory_space<hbm>>) target(%arg9 : memref<8x128xi32, #tpu.memory_space<vmem>>) target_semaphore(%arg19 : memref<!tpu.dma_semaphore, #tpu.memory_space<semaphore_mem>>)
        %dma_start3A_126 = arith.constant 0 : i32
        %dma_start3A_127 = tpu.memref_slice %arg3[%add3A_121, %dma_start3A_126] : memref<2560x128xi32, #tpu.memory_space<hbm>> -> memref<8x128xi32, #tpu.memory_space<hbm>>
        %dma_start3A_128 = arith.constant 0 : i32
        %dma_start3A_129 = tpu.memref_slice %arg3[%add3A_121, %dma_start3A_128] : memref<2560x128xi32, #tpu.memory_space<hbm>> -> memref<8x128xi32, #tpu.memory_space<hbm>>
        tpu.enqueue_dma source(%dma_start3A_129 : memref<8x128xi32, #tpu.memory_space<hbm>>) target(%arg10 : memref<8x128xi32, #tpu.memory_space<vmem>>) target_semaphore(%arg19 : memref<!tpu.dma_semaphore, #tpu.memory_space<semaphore_mem>>)
      } else {
      }
      %dma_start3A_101 = arith.constant 0 : i32
      %dma_start3A_102 = arith.constant 0 : i32
      %dma_start3A_103 = tpu.memref_slice %arg11[%dma_start3A_101, %dma_start3A_102] : memref<8x128xi32, #tpu.memory_space<vmem>> -> memref<1x128xi32, #tpu.memory_space<vmem>>
      %dma_start3A_104 = tpu.memref_squeeze %dma_start3A_103 : memref<1x128xi32, #tpu.memory_space<vmem>> -> memref<128xi32, #tpu.memory_space<vmem>>
      %dma_start3A_105 = arith.constant 0 : i32
      %dma_start3A_106 = arith.constant 0 : i32
      %dma_start3A_107 = tpu.memref_slice %arg4[%dma_start3A_105, %dma_start3A_106] : memref<10000x128xf32, #tpu.memory_space<hbm>> -> memref<10000x128xf32, #tpu.memory_space<hbm>>
      tpu.enqueue_indirect_dma source(%dma_start3A_107 : memref<10000x128xf32, #tpu.memory_space<hbm>>) target(%arg6 : memref<128x128xf32, #tpu.memory_space<vmem>>) offsets(%dma_start3A_104 : memref<128xi32, #tpu.memory_space<vmem>>) semaphore(%arg15 : memref<!tpu.dma_semaphore, #tpu.memory_space<semaphore_mem>>)
      %scan3A_108 = arith.constant 0 : i32
      %scan3A_109 = arith.constant 4 : i32
      %scan3A_110 = arith.addi %scan3A_108, %scan3A_109 : i32
      %scan3A_111 = arith.constant 1 : i32
      scf.for %scan3A_120 = %scan3A_108 to %scan3A_110 step %scan3A_111  : i32 {
        %mul3A_121 = arith.constant 2 : i32
        %mul3A_122 = arith.muli %scan3A_120, %mul3A_121 : i32
        %add3A_123 = arith.constant 0 : i32
        %add3A_124 = arith.addi %add3A_123, %mul3A_122 : i32
        %dma_wait3A_125 = arith.constant 0 : i32
        %dma_wait3A_126 = tpu.memref_slice %arg11[%add3A_124, %dma_wait3A_125] : memref<8x128xi32, #tpu.memory_space<vmem>> -> memref<1x128xi32, #tpu.memory_space<vmem>>
        %dma_wait3A_127 = tpu.memref_squeeze %dma_wait3A_126 : memref<1x128xi32, #tpu.memory_space<vmem>> -> memref<128xi32, #tpu.memory_space<vmem>>
        %dma_wait3A_128 = arith.constant 0 : i32
        %dma_wait3A_129 = arith.constant 0 : i32
        %dma_wait3A_130 = tpu.memref_slice %arg4[%dma_wait3A_128, %dma_wait3A_129] : memref<10000x128xf32, #tpu.memory_space<hbm>> -> memref<10000x128xf32, #tpu.memory_space<hbm>>
        tpu.wait_indirect_dma semaphore(%arg15 : memref<!tpu.dma_semaphore, #tpu.memory_space<semaphore_mem>>) src(%dma_wait3A_130 : memref<10000x128xf32, #tpu.memory_space<hbm>>) dst(%arg6 : memref<128x128xf32, #tpu.memory_space<vmem>>)
        %gt3A = arith.constant 0 : i32
        %gt3A_131 = arith.cmpi sgt, %add3A_124, %gt3A : i32
        %convert_element_type3A_132 = arith.extui %gt3A_131 : i1 to i32
        %cond3A_133 = arith.constant 0 : i32
        %cond3A_134 = arith.cmpi ne, %convert_element_type3A_132, %cond3A_133 : i32
        scf.if %cond3A_134 {
          %dma_wait3A_319 = arith.constant 0 : i32
          %dma_wait3A_320 = tpu.memref_slice %arg12[%add3A_124, %dma_wait3A_319] : memref<8x128xi32, #tpu.memory_space<vmem>> -> memref<1x128xi32, #tpu.memory_space<vmem>>
          %dma_wait3A_321 = tpu.memref_squeeze %dma_wait3A_320 : memref<1x128xi32, #tpu.memory_space<vmem>> -> memref<128xi32, #tpu.memory_space<vmem>>
          %dma_wait3A_322 = arith.constant 0 : i32
          %dma_wait3A_323 = arith.constant 0 : i32
          %dma_wait3A_324 = tpu.memref_slice %arg14[%dma_wait3A_322, %dma_wait3A_323] : memref<10240x128xf32, #tpu.memory_space<vmem_shared>> -> memref<10240x128xf32, #tpu.memory_space<vmem_shared>>
          tpu.wait_indirect_dma semaphore(%arg18 : memref<!tpu.dma_semaphore, #tpu.memory_space<semaphore_mem>>) src(%arg7 : memref<128x128xf32, #tpu.memory_space<vmem>>) dst(%dma_wait3A_324 : memref<10240x128xf32, #tpu.memory_space<vmem_shared>>)
        } else {
        }
        %add3A_135 = arith.constant 1 : i32
        %add3A_136 = arith.addi %add3A_124, %add3A_135 : i32
        %dma_start3A_137 = arith.constant 0 : i32
        %dma_start3A_138 = tpu.memref_slice %arg11[%add3A_136, %dma_start3A_137] : memref<8x128xi32, #tpu.memory_space<vmem>> -> memref<1x128xi32, #tpu.memory_space<vmem>>
        %dma_start3A_139 = tpu.memref_squeeze %dma_start3A_138 : memref<1x128xi32, #tpu.memory_space<vmem>> -> memref<128xi32, #tpu.memory_space<vmem>>
        %dma_start3A_140 = arith.constant 0 : i32
        %dma_start3A_141 = arith.constant 0 : i32
        %dma_start3A_142 = tpu.memref_slice %arg4[%dma_start3A_140, %dma_start3A_141] : memref<10000x128xf32, #tpu.memory_space<hbm>> -> memref<10000x128xf32, #tpu.memory_space<hbm>>
        tpu.enqueue_indirect_dma source(%dma_start3A_142 : memref<10000x128xf32, #tpu.memory_space<hbm>>) target(%arg7 : memref<128x128xf32, #tpu.memory_space<vmem>>) offsets(%dma_start3A_139 : memref<128xi32, #tpu.memory_space<vmem>>) semaphore(%arg16 : memref<!tpu.dma_semaphore, #tpu.memory_space<semaphore_mem>>)
        %dma_start3A_143 = arith.constant 0 : i32
        %dma_start3A_144 = tpu.memref_slice %arg12[%add3A_124, %dma_start3A_143] : memref<8x128xi32, #tpu.memory_space<vmem>> -> memref<1x128xi32, #tpu.memory_space<vmem>>
        %dma_start3A_145 = tpu.memref_squeeze %dma_start3A_144 : memref<1x128xi32, #tpu.memory_space<vmem>> -> memref<128xi32, #tpu.memory_space<vmem>>
        %dma_start3A_146 = arith.constant 0 : i32
        %dma_start3A_147 = arith.constant 0 : i32
        %dma_start3A_148 = tpu.memref_slice %arg14[%dma_start3A_146, %dma_start3A_147] : memref<10240x128xf32, #tpu.memory_space<vmem_shared>> -> memref<10240x128xf32, #tpu.memory_space<vmem_shared>>
        tpu.enqueue_indirect_dma source(%arg6 : memref<128x128xf32, #tpu.memory_space<vmem>>) target(%dma_start3A_148 : memref<10240x128xf32, #tpu.memory_space<vmem_shared>>) offsets(%dma_start3A_145 : memref<128xi32, #tpu.memory_space<vmem>>) semaphore(%arg17 : memref<!tpu.dma_semaphore, #tpu.memory_space<semaphore_mem>>) {add = true}
        %get3A = arith.index_cast %add3A_124 : i32 to index
        %get3A_149 = arith.constant 0 : index
        %get3A_150 = tpu.vector_load %arg12[%get3A, %get3A_149] {strides = array<i32>} : memref<8x128xi32, #tpu.memory_space<vmem>>, vector<16xi32>,
        %shift_right_logical3A = arith.constant 7 : i32
        %shift_right_logical3A_151 = vector.broadcast %shift_right_logical3A : i32 to vector<16xi32>
        %shift_right_logical3A_152 = arith.shrui %get3A_150, %shift_right_logical3A_151 : vector<16xi32>
        %and3A = arith.constant 127 : i32
        %and3A_153 = vector.broadcast %and3A : i32 to vector<16xi32>
        %and3A_154 = arith.andi %get3A_150, %and3A_153 : vector<16xi32>
        tpu.vector_store_idx %arg8[%shift_right_logical3A_152, %and3A_154], %broadcast_in_dim3A_22 {add = true} : memref<80x128xf32, #tpu.memory_space<vmem>>[vector<16xi32>, vector<16xi32>], vector<16xf32>,
        %get3A_155 = arith.index_cast %add3A_124 : i32 to index
        %get3A_156 = arith.constant 16 : index
        %get3A_157 = tpu.vector_load %arg12[%get3A_155, %get3A_156] {strides = array<i32>} : memref<8x128xi32, #tpu.memory_space<vmem>>, vector<16xi32>,
        %shift_right_logical3A_158 = arith.constant 7 : i32
        %shift_right_logical3A_159 = vector.broadcast %shift_right_logical3A_158 : i32 to vector<16xi32>
        %shift_right_logical3A_160 = arith.shrui %get3A_157, %shift_right_logical3A_159 : vector<16xi32>
        %and3A_161 = arith.constant 127 : i32
        %and3A_162 = vector.broadcast %and3A_161 : i32 to vector<16xi32>
        %and3A_163 = arith.andi %get3A_157, %and3A_162 : vector<16xi32>
        tpu.vector_store_idx %arg8[%shift_right_logical3A_160, %and3A_163], %broadcast_in_dim3A_22 {add = true} : memref<80x128xf32, #tpu.memory_space<vmem>>[vector<16xi32>, vector<16xi32>], vector<16xf32>,
        %get3A_164 = arith.index_cast %add3A_124 : i32 to index
        %get3A_165 = arith.constant 32 : index
        %get3A_166 = tpu.vector_load %arg12[%get3A_164, %get3A_165] {strides = array<i32>} : memref<8x128xi32, #tpu.memory_space<vmem>>, vector<16xi32>,
        %shift_right_logical3A_167 = arith.constant 7 : i32
        %shift_right_logical3A_168 = vector.broadcast %shift_right_logical3A_167 : i32 to vector<16xi32>
        %shift_right_logical3A_169 = arith.shrui %get3A_166, %shift_right_logical3A_168 : vector<16xi32>
        %and3A_170 = arith.constant 127 : i32
        %and3A_171 = vector.broadcast %and3A_170 : i32 to vector<16xi32>
        %and3A_172 = arith.andi %get3A_166, %and3A_171 : vector<16xi32>
        tpu.vector_store_idx %arg8[%shift_right_logical3A_169, %and3A_172], %broadcast_in_dim3A_22 {add = true} : memref<80x128xf32, #tpu.memory_space<vmem>>[vector<16xi32>, vector<16xi32>], vector<16xf32>,
        %get3A_173 = arith.index_cast %add3A_124 : i32 to index
        %get3A_174 = arith.constant 48 : index
        %get3A_175 = tpu.vector_load %arg12[%get3A_173, %get3A_174] {strides = array<i32>} : memref<8x128xi32, #tpu.memory_space<vmem>>, vector<16xi32>,
        %shift_right_logical3A_176 = arith.constant 7 : i32
        %shift_right_logical3A_177 = vector.broadcast %shift_right_logical3A_176 : i32 to vector<16xi32>
        %shift_right_logical3A_178 = arith.shrui %get3A_175, %shift_right_logical3A_177 : vector<16xi32>
        %and3A_179 = arith.constant 127 : i32
        %and3A_180 = vector.broadcast %and3A_179 : i32 to vector<16xi32>
        %and3A_181 = arith.andi %get3A_175, %and3A_180 : vector<16xi32>
        tpu.vector_store_idx %arg8[%shift_right_logical3A_178, %and3A_181], %broadcast_in_dim3A_22 {add = true} : memref<80x128xf32, #tpu.memory_space<vmem>>[vector<16xi32>, vector<16xi32>], vector<16xf32>,
        %get3A_182 = arith.index_cast %add3A_124 : i32 to index
        %get3A_183 = arith.constant 64 : index
        %get3A_184 = tpu.vector_load %arg12[%get3A_182, %get3A_183] {strides = array<i32>} : memref<8x128xi32, #tpu.memory_space<vmem>>, vector<16xi32>,
        %shift_right_logical3A_185 = arith.constant 7 : i32
        %shift_right_logical3A_186 = vector.broadcast %shift_right_logical3A_185 : i32 to vector<16xi32>
        %shift_right_logical3A_187 = arith.shrui %get3A_184, %shift_right_logical3A_186 : vector<16xi32>
        %and3A_188 = arith.constant 127 : i32
        %and3A_189 = vector.broadcast %and3A_188 : i32 to vector<16xi32>
        %and3A_190 = arith.andi %get3A_184, %and3A_189 : vector<16xi32>
        tpu.vector_store_idx %arg8[%shift_right_logical3A_187, %and3A_190], %broadcast_in_dim3A_22 {add = true} : memref<80x128xf32, #tpu.memory_space<vmem>>[vector<16xi32>, vector<16xi32>], vector<16xf32>,
        %get3A_191 = arith.index_cast %add3A_124 : i32 to index
        %get3A_192 = arith.constant 80 : index
        %get3A_193 = tpu.vector_load %arg12[%get3A_191, %get3A_192] {strides = array<i32>} : memref<8x128xi32, #tpu.memory_space<vmem>>, vector<16xi32>,
        %shift_right_logical3A_194 = arith.constant 7 : i32
        %shift_right_logical3A_195 = vector.broadcast %shift_right_logical3A_194 : i32 to vector<16xi32>
        %shift_right_logical3A_196 = arith.shrui %get3A_193, %shift_right_logical3A_195 : vector<16xi32>
        %and3A_197 = arith.constant 127 : i32
        %and3A_198 = vector.broadcast %and3A_197 : i32 to vector<16xi32>
        %and3A_199 = arith.andi %get3A_193, %and3A_198 : vector<16xi32>
        tpu.vector_store_idx %arg8[%shift_right_logical3A_196, %and3A_199], %broadcast_in_dim3A_22 {add = true} : memref<80x128xf32, #tpu.memory_space<vmem>>[vector<16xi32>, vector<16xi32>], vector<16xf32>,
        %get3A_200 = arith.index_cast %add3A_124 : i32 to index
        %get3A_201 = arith.constant 96 : index
        %get3A_202 = tpu.vector_load %arg12[%get3A_200, %get3A_201] {strides = array<i32>} : memref<8x128xi32, #tpu.memory_space<vmem>>, vector<16xi32>,
        %shift_right_logical3A_203 = arith.constant 7 : i32
        %shift_right_logical3A_204 = vector.broadcast %shift_right_logical3A_203 : i32 to vector<16xi32>
        %shift_right_logical3A_205 = arith.shrui %get3A_202, %shift_right_logical3A_204 : vector<16xi32>
        %and3A_206 = arith.constant 127 : i32
        %and3A_207 = vector.broadcast %and3A_206 : i32 to vector<16xi32>
        %and3A_208 = arith.andi %get3A_202, %and3A_207 : vector<16xi32>
        tpu.vector_store_idx %arg8[%shift_right_logical3A_205, %and3A_208], %broadcast_in_dim3A_22 {add = true} : memref<80x128xf32, #tpu.memory_space<vmem>>[vector<16xi32>, vector<16xi32>], vector<16xf32>,
        %get3A_209 = arith.index_cast %add3A_124 : i32 to index
        %get3A_210 = arith.constant 112 : index
        %get3A_211 = tpu.vector_load %arg12[%get3A_209, %get3A_210] {strides = array<i32>} : memref<8x128xi32, #tpu.memory_space<vmem>>, vector<16xi32>,
        %shift_right_logical3A_212 = arith.constant 7 : i32
        %shift_right_logical3A_213 = vector.broadcast %shift_right_logical3A_212 : i32 to vector<16xi32>
        %shift_right_logical3A_214 = arith.shrui %get3A_211, %shift_right_logical3A_213 : vector<16xi32>
        %and3A_215 = arith.constant 127 : i32
        %and3A_216 = vector.broadcast %and3A_215 : i32 to vector<16xi32>
        %and3A_217 = arith.andi %get3A_211, %and3A_216 : vector<16xi32>
        tpu.vector_store_idx %arg8[%shift_right_logical3A_214, %and3A_217], %broadcast_in_dim3A_22 {add = true} : memref<80x128xf32, #tpu.memory_space<vmem>>[vector<16xi32>, vector<16xi32>], vector<16xf32>,
        %add3A_218 = arith.constant 1 : i32
        %add3A_219 = arith.addi %add3A_124, %add3A_218 : i32
        %dma_wait3A_220 = arith.constant 0 : i32
        %dma_wait3A_221 = tpu.memref_slice %arg11[%add3A_219, %dma_wait3A_220] : memref<8x128xi32, #tpu.memory_space<vmem>> -> memref<1x128xi32, #tpu.memory_space<vmem>>
        %dma_wait3A_222 = tpu.memref_squeeze %dma_wait3A_221 : memref<1x128xi32, #tpu.memory_space<vmem>> -> memref<128xi32, #tpu.memory_space<vmem>>
        %dma_wait3A_223 = arith.constant 0 : i32
        %dma_wait3A_224 = arith.constant 0 : i32
        %dma_wait3A_225 = tpu.memref_slice %arg4[%dma_wait3A_223, %dma_wait3A_224] : memref<10000x128xf32, #tpu.memory_space<hbm>> -> memref<10000x128xf32, #tpu.memory_space<hbm>>
        tpu.wait_indirect_dma semaphore(%arg16 : memref<!tpu.dma_semaphore, #tpu.memory_space<semaphore_mem>>) src(%dma_wait3A_225 : memref<10000x128xf32, #tpu.memory_space<hbm>>) dst(%arg7 : memref<128x128xf32, #tpu.memory_space<vmem>>)
        %dma_wait3A_226 = arith.constant 0 : i32
        %dma_wait3A_227 = tpu.memref_slice %arg12[%add3A_124, %dma_wait3A_226] : memref<8x128xi32, #tpu.memory_space<vmem>> -> memref<1x128xi32, #tpu.memory_space<vmem>>
        %dma_wait3A_228 = tpu.memref_squeeze %dma_wait3A_227 : memref<1x128xi32, #tpu.memory_space<vmem>> -> memref<128xi32, #tpu.memory_space<vmem>>
        %dma_wait3A_229 = arith.constant 0 : i32
        %dma_wait3A_230 = arith.constant 0 : i32
        %dma_wait3A_231 = tpu.memref_slice %arg14[%dma_wait3A_229, %dma_wait3A_230] : memref<10240x128xf32, #tpu.memory_space<vmem_shared>> -> memref<10240x128xf32, #tpu.memory_space<vmem_shared>>
        tpu.wait_indirect_dma semaphore(%arg17 : memref<!tpu.dma_semaphore, #tpu.memory_space<semaphore_mem>>) src(%arg6 : memref<128x128xf32, #tpu.memory_space<vmem>>) dst(%dma_wait3A_231 : memref<10240x128xf32, #tpu.memory_space<vmem_shared>>)
        %lt3A_232 = arith.constant 6 : i32
        %lt3A_233 = arith.cmpi slt, %add3A_124, %lt3A_232 : i32
        %convert_element_type3A_234 = arith.extui %lt3A_233 : i1 to i32
        %cond3A_235 = arith.constant 0 : i32
        %cond3A_236 = arith.cmpi ne, %convert_element_type3A_234, %cond3A_235 : i32
        scf.if %cond3A_236 {
          %add3A_319 = arith.constant 2 : i32
          %add3A_320 = arith.addi %add3A_124, %add3A_319 : i32
          %dma_start3A_321 = arith.constant 0 : i32
          %dma_start3A_322 = tpu.memref_slice %arg11[%add3A_320, %dma_start3A_321] : memref<8x128xi32, #tpu.memory_space<vmem>> -> memref<1x128xi32, #tpu.memory_space<vmem>>
          %dma_start3A_323 = tpu.memref_squeeze %dma_start3A_322 : memref<1x128xi32, #tpu.memory_space<vmem>> -> memref<128xi32, #tpu.memory_space<vmem>>
          %dma_start3A_324 = arith.constant 0 : i32
          %dma_start3A_325 = arith.constant 0 : i32
          %dma_start3A_326 = tpu.memref_slice %arg4[%dma_start3A_324, %dma_start3A_325] : memref<10000x128xf32, #tpu.memory_space<hbm>> -> memref<10000x128xf32, #tpu.memory_space<hbm>>
          tpu.enqueue_indirect_dma source(%dma_start3A_326 : memref<10000x128xf32, #tpu.memory_space<hbm>>) target(%arg6 : memref<128x128xf32, #tpu.memory_space<vmem>>) offsets(%dma_start3A_323 : memref<128xi32, #tpu.memory_space<vmem>>) semaphore(%arg15 : memref<!tpu.dma_semaphore, #tpu.memory_space<semaphore_mem>>)
        } else {
        }
        %add3A_237 = arith.constant 1 : i32
        %add3A_238 = arith.addi %add3A_124, %add3A_237 : i32
        %dma_start3A_239 = arith.constant 0 : i32
        %dma_start3A_240 = tpu.memref_slice %arg12[%add3A_238, %dma_start3A_239] : memref<8x128xi32, #tpu.memory_space<vmem>> -> memref<1x128xi32, #tpu.memory_space<vmem>>
        %dma_start3A_241 = tpu.memref_squeeze %dma_start3A_240 : memref<1x128xi32, #tpu.memory_space<vmem>> -> memref<128xi32, #tpu.memory_space<vmem>>
        %dma_start3A_242 = arith.constant 0 : i32
        %dma_start3A_243 = arith.constant 0 : i32
        %dma_start3A_244 = tpu.memref_slice %arg14[%dma_start3A_242, %dma_start3A_243] : memref<10240x128xf32, #tpu.memory_space<vmem_shared>> -> memref<10240x128xf32, #tpu.memory_space<vmem_shared>>
        tpu.enqueue_indirect_dma source(%arg7 : memref<128x128xf32, #tpu.memory_space<vmem>>) target(%dma_start3A_244 : memref<10240x128xf32, #tpu.memory_space<vmem_shared>>) offsets(%dma_start3A_241 : memref<128xi32, #tpu.memory_space<vmem>>) semaphore(%arg18 : memref<!tpu.dma_semaphore, #tpu.memory_space<semaphore_mem>>) {add = true}
        %add3A_245 = arith.constant 1 : i32
        %add3A_246 = arith.addi %add3A_124, %add3A_245 : i32
        %get3A_247 = arith.index_cast %add3A_246 : i32 to index
        %get3A_248 = arith.constant 0 : index
        %get3A_249 = tpu.vector_load %arg12[%get3A_247, %get3A_248] {strides = array<i32>} : memref<8x128xi32, #tpu.memory_space<vmem>>, vector<16xi32>,
        %shift_right_logical3A_250 = arith.constant 7 : i32
        %shift_right_logical3A_251 = vector.broadcast %shift_right_logical3A_250 : i32 to vector<16xi32>
        %shift_right_logical3A_252 = arith.shrui %get3A_249, %shift_right_logical3A_251 : vector<16xi32>
        %and3A_253 = arith.constant 127 : i32
        %and3A_254 = vector.broadcast %and3A_253 : i32 to vector<16xi32>
        %and3A_255 = arith.andi %get3A_249, %and3A_254 : vector<16xi32>
        tpu.vector_store_idx %arg8[%shift_right_logical3A_252, %and3A_255], %broadcast_in_dim3A_22 {add = true} : memref<80x128xf32, #tpu.memory_space<vmem>>[vector<16xi32>, vector<16xi32>], vector<16xf32>,
        %get3A_256 = arith.index_cast %add3A_246 : i32 to index
        %get3A_257 = arith.constant 16 : index
        %get3A_258 = tpu.vector_load %arg12[%get3A_256, %get3A_257] {strides = array<i32>} : memref<8x128xi32, #tpu.memory_space<vmem>>, vector<16xi32>,
        %shift_right_logical3A_259 = arith.constant 7 : i32
        %shift_right_logical3A_260 = vector.broadcast %shift_right_logical3A_259 : i32 to vector<16xi32>
        %shift_right_logical3A_261 = arith.shrui %get3A_258, %shift_right_logical3A_260 : vector<16xi32>
        %and3A_262 = arith.constant 127 : i32
        %and3A_263 = vector.broadcast %and3A_262 : i32 to vector<16xi32>
        %and3A_264 = arith.andi %get3A_258, %and3A_263 : vector<16xi32>
        tpu.vector_store_idx %arg8[%shift_right_logical3A_261, %and3A_264], %broadcast_in_dim3A_22 {add = true} : memref<80x128xf32, #tpu.memory_space<vmem>>[vector<16xi32>, vector<16xi32>], vector<16xf32>,
        %get3A_265 = arith.index_cast %add3A_246 : i32 to index
        %get3A_266 = arith.constant 32 : index
        %get3A_267 = tpu.vector_load %arg12[%get3A_265, %get3A_266] {strides = array<i32>} : memref<8x128xi32, #tpu.memory_space<vmem>>, vector<16xi32>,
        %shift_right_logical3A_268 = arith.constant 7 : i32
        %shift_right_logical3A_269 = vector.broadcast %shift_right_logical3A_268 : i32 to vector<16xi32>
        %shift_right_logical3A_270 = arith.shrui %get3A_267, %shift_right_logical3A_269 : vector<16xi32>
        %and3A_271 = arith.constant 127 : i32
        %and3A_272 = vector.broadcast %and3A_271 : i32 to vector<16xi32>
        %and3A_273 = arith.andi %get3A_267, %and3A_272 : vector<16xi32>
        tpu.vector_store_idx %arg8[%shift_right_logical3A_270, %and3A_273], %broadcast_in_dim3A_22 {add = true} : memref<80x128xf32, #tpu.memory_space<vmem>>[vector<16xi32>, vector<16xi32>], vector<16xf32>,
        %get3A_274 = arith.index_cast %add3A_246 : i32 to index
        %get3A_275 = arith.constant 48 : index
        %get3A_276 = tpu.vector_load %arg12[%get3A_274, %get3A_275] {strides = array<i32>} : memref<8x128xi32, #tpu.memory_space<vmem>>, vector<16xi32>,
        %shift_right_logical3A_277 = arith.constant 7 : i32
        %shift_right_logical3A_278 = vector.broadcast %shift_right_logical3A_277 : i32 to vector<16xi32>
        %shift_right_logical3A_279 = arith.shrui %get3A_276, %shift_right_logical3A_278 : vector<16xi32>
        %and3A_280 = arith.constant 127 : i32
        %and3A_281 = vector.broadcast %and3A_280 : i32 to vector<16xi32>
        %and3A_282 = arith.andi %get3A_276, %and3A_281 : vector<16xi32>
        tpu.vector_store_idx %arg8[%shift_right_logical3A_279, %and3A_282], %broadcast_in_dim3A_22 {add = true} : memref<80x128xf32, #tpu.memory_space<vmem>>[vector<16xi32>, vector<16xi32>], vector<16xf32>,
        %get3A_283 = arith.index_cast %add3A_246 : i32 to index
        %get3A_284 = arith.constant 64 : index
        %get3A_285 = tpu.vector_load %arg12[%get3A_283, %get3A_284] {strides = array<i32>} : memref<8x128xi32, #tpu.memory_space<vmem>>, vector<16xi32>,
        %shift_right_logical3A_286 = arith.constant 7 : i32
        %shift_right_logical3A_287 = vector.broadcast %shift_right_logical3A_286 : i32 to vector<16xi32>
        %shift_right_logical3A_288 = arith.shrui %get3A_285, %shift_right_logical3A_287 : vector<16xi32>
        %and3A_289 = arith.constant 127 : i32
        %and3A_290 = vector.broadcast %and3A_289 : i32 to vector<16xi32>
        %and3A_291 = arith.andi %get3A_285, %and3A_290 : vector<16xi32>
        tpu.vector_store_idx %arg8[%shift_right_logical3A_288, %and3A_291], %broadcast_in_dim3A_22 {add = true} : memref<80x128xf32, #tpu.memory_space<vmem>>[vector<16xi32>, vector<16xi32>], vector<16xf32>,
        %get3A_292 = arith.index_cast %add3A_246 : i32 to index
        %get3A_293 = arith.constant 80 : index
        %get3A_294 = tpu.vector_load %arg12[%get3A_292, %get3A_293] {strides = array<i32>} : memref<8x128xi32, #tpu.memory_space<vmem>>, vector<16xi32>,
        %shift_right_logical3A_295 = arith.constant 7 : i32
        %shift_right_logical3A_296 = vector.broadcast %shift_right_logical3A_295 : i32 to vector<16xi32>
        %shift_right_logical3A_297 = arith.shrui %get3A_294, %shift_right_logical3A_296 : vector<16xi32>
        %and3A_298 = arith.constant 127 : i32
        %and3A_299 = vector.broadcast %and3A_298 : i32 to vector<16xi32>
        %and3A_300 = arith.andi %get3A_294, %and3A_299 : vector<16xi32>
        tpu.vector_store_idx %arg8[%shift_right_logical3A_297, %and3A_300], %broadcast_in_dim3A_22 {add = true} : memref<80x128xf32, #tpu.memory_space<vmem>>[vector<16xi32>, vector<16xi32>], vector<16xf32>,
        %get3A_301 = arith.index_cast %add3A_246 : i32 to index
        %get3A_302 = arith.constant 96 : index
        %get3A_303 = tpu.vector_load %arg12[%get3A_301, %get3A_302] {strides = array<i32>} : memref<8x128xi32, #tpu.memory_space<vmem>>, vector<16xi32>,
        %shift_right_logical3A_304 = arith.constant 7 : i32
        %shift_right_logical3A_305 = vector.broadcast %shift_right_logical3A_304 : i32 to vector<16xi32>
        %shift_right_logical3A_306 = arith.shrui %get3A_303, %shift_right_logical3A_305 : vector<16xi32>
        %and3A_307 = arith.constant 127 : i32
        %and3A_308 = vector.broadcast %and3A_307 : i32 to vector<16xi32>
        %and3A_309 = arith.andi %get3A_303, %and3A_308 : vector<16xi32>
        tpu.vector_store_idx %arg8[%shift_right_logical3A_306, %and3A_309], %broadcast_in_dim3A_22 {add = true} : memref<80x128xf32, #tpu.memory_space<vmem>>[vector<16xi32>, vector<16xi32>], vector<16xf32>,
        %get3A_310 = arith.index_cast %add3A_246 : i32 to index
        %get3A_311 = arith.constant 112 : index
        %get3A_312 = tpu.vector_load %arg12[%get3A_310, %get3A_311] {strides = array<i32>} : memref<8x128xi32, #tpu.memory_space<vmem>>, vector<16xi32>,
        %shift_right_logical3A_313 = arith.constant 7 : i32
        %shift_right_logical3A_314 = vector.broadcast %shift_right_logical3A_313 : i32 to vector<16xi32>
        %shift_right_logical3A_315 = arith.shrui %get3A_312, %shift_right_logical3A_314 : vector<16xi32>
        %and3A_316 = arith.constant 127 : i32
        %and3A_317 = vector.broadcast %and3A_316 : i32 to vector<16xi32>
        %and3A_318 = arith.andi %get3A_312, %and3A_317 : vector<16xi32>
        tpu.vector_store_idx %arg8[%shift_right_logical3A_315, %and3A_318], %broadcast_in_dim3A_22 {add = true} : memref<80x128xf32, #tpu.memory_space<vmem>>[vector<16xi32>, vector<16xi32>], vector<16xf32>,
      }
      %scan3A_112 = arith.constant 4 : i32
      %dma_wait3A_113 = arith.constant 0 : i32
      %dma_wait3A_114 = arith.constant 0 : i32
      %dma_wait3A_115 = tpu.memref_slice %arg12[%dma_wait3A_113, %dma_wait3A_114] : memref<8x128xi32, #tpu.memory_space<vmem>> -> memref<1x128xi32, #tpu.memory_space<vmem>>
      %dma_wait3A_116 = tpu.memref_squeeze %dma_wait3A_115 : memref<1x128xi32, #tpu.memory_space<vmem>> -> memref<128xi32, #tpu.memory_space<vmem>>
      %dma_wait3A_117 = arith.constant 0 : i32
      %dma_wait3A_118 = arith.constant 0 : i32
      %dma_wait3A_119 = tpu.memref_slice %arg14[%dma_wait3A_117, %dma_wait3A_118] : memref<10240x128xf32, #tpu.memory_space<vmem_shared>> -> memref<10240x128xf32, #tpu.memory_space<vmem_shared>>
      tpu.wait_indirect_dma semaphore(%arg18 : memref<!tpu.dma_semaphore, #tpu.memory_space<semaphore_mem>>) src(%arg7 : memref<128x128xf32, #tpu.memory_space<vmem>>) dst(%dma_wait3A_119 : memref<10240x128xf32, #tpu.memory_space<vmem_shared>>)
    }
    %scan3A_36 = arith.constant 5 : i32
    %scan3A_37 = arith.constant 0 : i32
    %scan3A_38 = arith.constant 5 : i32
    %scan3A_39 = arith.addi %scan3A_37, %scan3A_38 : i32
    %scan3A_40 = arith.constant 1 : i32
    scf.for %scan3A_43 = %scan3A_37 to %scan3A_39 step %scan3A_40  : i32 {
      %mul3A_44 = arith.constant 16 : i32
      %mul3A_45 = arith.muli %scan3A_43, %mul3A_44 : i32
      %add3A_46 = arith.constant 0 : i32
      %add3A_47 = arith.addi %add3A_46, %mul3A_45 : i32
      %add3A_48 = arith.constant 10080 : i32
      %add3A_49 = arith.addi %add3A_48, %add3A_47 : i32
      %add3A_50 = vector.broadcast %add3A_49 : i32 to vector<16xi32>
      %add3A_51 = arith.addi %iota3A, %add3A_50 : vector<16xi32>
      %swap3A = arith.index_cast %add3A_47 : i32 to index
      %swap3A_52 = tpu.vector_load %arg13[%swap3A] {strides = array<i32>} : memref<80xi32, #tpu.memory_space<vmem>>, vector<16xi32>,
      tpu.vector_store %arg13[%swap3A], %add3A_51 {strides = array<i32>} : memref<80xi32, #tpu.memory_space<vmem>>, vector<16xi32>,
    }
    %scan3A_41 = arith.constant 5 : i32
    "tpu.region"() ({
      %run_scoped3A = tpu.sem_alloc : memref<!tpu.dma_semaphore, #tpu.memory_space<semaphore_mem>>
      %dma_start3A_43 = arith.constant 0 : i32
      %dma_start3A_44 = arith.constant 0 : i32
      %dma_start3A_45 = tpu.memref_slice %arg14[%dma_start3A_43, %dma_start3A_44] : memref<10240x128xf32, #tpu.memory_space<vmem_shared>> -> memref<10240x128xf32, #tpu.memory_space<vmem_shared>>
      tpu.enqueue_indirect_dma source(%arg8 : memref<80x128xf32, #tpu.memory_space<vmem>>) target(%dma_start3A_45 : memref<10240x128xf32, #tpu.memory_space<vmem_shared>>) offsets(%arg13 : memref<80xi32, #tpu.memory_space<vmem>>) semaphore(%run_scoped3A : memref<!tpu.dma_semaphore, #tpu.memory_space<semaphore_mem>>) {add = true}
      %dma_wait3A = arith.constant 0 : i32
      %dma_wait3A_46 = arith.constant 0 : i32
      %dma_wait3A_47 = tpu.memref_slice %arg14[%dma_wait3A, %dma_wait3A_46] : memref<10240x128xf32, #tpu.memory_space<vmem_shared>> -> memref<10240x128xf32, #tpu.memory_space<vmem_shared>>
      tpu.wait_indirect_dma semaphore(%run_scoped3A : memref<!tpu.dma_semaphore, #tpu.memory_space<semaphore_mem>>) src(%arg8 : memref<80x128xf32, #tpu.memory_space<vmem>>) dst(%dma_wait3A_47 : memref<10240x128xf32, #tpu.memory_space<vmem_shared>>)
      tpu.yield
    }) : () -> ()
    %barrier3A_42 = arith.constant 0 : index
    tpu.barrier barrier_id(%barrier3A_42)
    "tpu.region"() ({
      %run_scoped3A = tpu.sem_alloc : memref<!tpu.dma_semaphore, #tpu.memory_space<semaphore_mem>>
      %dma_start3A_43 = arith.constant 0 : i32
      %dma_start3A_44 = arith.constant 0 : i32
      %dma_start3A_45 = tpu.memref_slice %arg5[%arg0, %dma_start3A_43, %dma_start3A_44] : memref<2x10240x128xf32, #tpu.memory_space<hbm>> -> memref<1x10240x128xf32, #tpu.memory_space<hbm>>
      %dma_start3A_46 = tpu.memref_squeeze %dma_start3A_45 : memref<1x10240x128xf32, #tpu.memory_space<hbm>> -> memref<10240x128xf32, #tpu.memory_space<hbm>>
      %dma_start3A_47 = arith.constant 0 : i32
      %dma_start3A_48 = tpu.memref_slice %dma_start3A_46[%mul3A_9, %dma_start3A_47] : memref<10240x128xf32, #tpu.memory_space<hbm>> -> memref<640x128xf32, #tpu.memory_space<hbm>>
      %dma_start3A_49 = arith.constant 0 : i32
      %dma_start3A_50 = tpu.memref_slice %arg14[%mul3A_9, %dma_start3A_49] : memref<10240x128xf32, #tpu.memory_space<vmem_shared>> -> memref<640x128xf32, #tpu.memory_space<vmem_shared>>
      tpu.enqueue_dma source(%dma_start3A_50 : memref<640x128xf32, #tpu.memory_space<vmem_shared>>) target(%dma_start3A_48 : memref<640x128xf32, #tpu.memory_space<hbm>>) target_semaphore(%run_scoped3A : memref<!tpu.dma_semaphore, #tpu.memory_space<semaphore_mem>>)
      %dma_wait3A = arith.constant 0 : i32
      %dma_wait3A_51 = arith.constant 0 : i32
      %dma_wait3A_52 = tpu.memref_slice %arg5[%arg0, %dma_wait3A, %dma_wait3A_51] : memref<2x10240x128xf32, #tpu.memory_space<hbm>> -> memref<1x10240x128xf32, #tpu.memory_space<hbm>>
      %dma_wait3A_53 = tpu.memref_squeeze %dma_wait3A_52 : memref<1x10240x128xf32, #tpu.memory_space<hbm>> -> memref<10240x128xf32, #tpu.memory_space<hbm>>
      %dma_wait3A_54 = arith.constant 0 : i32
      %dma_wait3A_55 = tpu.memref_slice %dma_wait3A_53[%mul3A_9, %dma_wait3A_54] : memref<10240x128xf32, #tpu.memory_space<hbm>> -> memref<640x128xf32, #tpu.memory_space<hbm>>
      %dma_wait3A_56 = arith.constant 0 : i32
      %dma_wait3A_57 = tpu.memref_slice %arg14[%mul3A_9, %dma_wait3A_56] : memref<10240x128xf32, #tpu.memory_space<vmem_shared>> -> memref<640x128xf32, #tpu.memory_space<vmem_shared>>
      tpu.wait_dma2 semaphore(%run_scoped3A : memref<!tpu.dma_semaphore, #tpu.memory_space<semaphore_mem>>) src(%dma_wait3A_57 : memref<640x128xf32, #tpu.memory_space<vmem_shared>>) dst(%dma_wait3A_55 : memref<640x128xf32, #tpu.memory_space<hbm>>)
      tpu.yield
    }) : () -> ()
    return
  }
}

module attributes {stable_mosaic.version = 14 : i64} {
  func.func @_tc_body(%arg0: i32, %arg1: memref<2x2000x128xf32, #tpu.memory_space<vmem>>, %arg2: memref<2000x1xf32, #tpu.memory_space<vmem>>, %arg3: memref<128x128xf32, #tpu.memory_space<vmem>>, %arg4: memref<1x128xf32, #tpu.memory_space<vmem>>, %arg5: memref<2000x128xf32, #tpu.memory_space<vmem>>) attributes {dimension_semantics = [#tpu.dimension_semantics<arbitrary>], iteration_bounds = array<i64: 5>, scalar_prefetch = 0 : i64, scratch_operands = 0 : i64, tpu.core_type = #tpu.core_type<tc>, window_params = [{transform_indices = @transform_0, window_bounds = array<i64: 2, 2000, 128>}, {transform_indices = @transform_1, window_bounds = array<i64: 2000, 1>}, {pipeline_mode = #tpu.pipeline_mode<synchronous>, transform_indices = @transform_2, window_bounds = array<i64: 128, 128>}, {pipeline_mode = #tpu.pipeline_mode<synchronous>, transform_indices = @transform_3, window_bounds = array<i64: 1, 128>}, {transform_indices = @transform_4, window_bounds = array<i64: 2000, 128>}]} {
    %get3A = arith.constant 0 : index
    %get3A_0 = arith.constant 0 : index
    %get3A_1 = arith.constant 0 : index
    %get3A_2 = vector.load %arg1[%get3A, %get3A_0, %get3A_1] : memref<2x2000x128xf32, #tpu.memory_space<vmem>>, vector<1x2000x128xf32>
    %get3A_3 = vector.shape_cast %get3A_2 : vector<1x2000x128xf32> to vector<2000x128xf32>
    %get3A_4 = arith.constant 1 : index
    %get3A_5 = arith.constant 0 : index
    %get3A_6 = arith.constant 0 : index
    %get3A_7 = vector.load %arg1[%get3A_4, %get3A_5, %get3A_6] : memref<2x2000x128xf32, #tpu.memory_space<vmem>>, vector<1x2000x128xf32>
    %get3A_8 = vector.shape_cast %get3A_7 : vector<1x2000x128xf32> to vector<2000x128xf32>
    %add3A = arith.addf %get3A_3, %get3A_8 : vector<2000x128xf32>
    %get3A_9 = arith.constant 0 : index
    %get3A_10 = arith.constant 0 : index
    %get3A_11 = vector.load %arg2[%get3A_9, %get3A_10] : memref<2000x1xf32, #tpu.memory_space<vmem>>, vector<2000x1xf32>
    %max3A = arith.constant 1.000000e+00 : f32
    %max3A_12 = vector.broadcast %max3A : f32 to vector<2000x1xf32>
    %max3A_13 = arith.maximumf %get3A_11, %max3A_12 : vector<2000x1xf32>
    %div3A = vector.broadcast %max3A_13 : vector<2000x1xf32> to vector<2000x128xf32>
    %div3A_14 = arith.divf %add3A, %div3A : vector<2000x128xf32>
    %get3A_15 = arith.constant 0 : index
    %get3A_16 = arith.constant 0 : index
    %get3A_17 = vector.load %arg3[%get3A_15, %get3A_16] : memref<128x128xf32, #tpu.memory_space<vmem>>, vector<128x128xf32>
    %dot_general3A = arith.constant dense<0.000000e+00> : vector<2000x128xf32>
    %dot_general3A_18 = tpu.matmul %div3A_14, %get3A_17, %dot_general3A {dimension_numbers = #tpu.dot_dimension_numbers<[1], [1], [0], [0], [0, 0, 1, 0], [], []>, transpose_lhs_hint = false} : vector<2000x128xf32>, vector<128x128xf32>, vector<2000x128xf32> -> vector<2000x128xf32>
    %get3A_19 = arith.constant 0 : index
    %get3A_20 = arith.constant 0 : index
    %get3A_21 = vector.load %arg4[%get3A_19, %get3A_20] : memref<1x128xf32, #tpu.memory_space<vmem>>, vector<1x128xf32>
    %add3A_22 = vector.broadcast %get3A_21 : vector<1x128xf32> to vector<2000x128xf32>
    %add3A_23 = arith.addf %dot_general3A_18, %add3A_22 : vector<2000x128xf32>
    %swap3A = arith.constant 0 : index
    %swap3A_24 = arith.constant 0 : index
    %swap3A_25 = vector.load %arg5[%swap3A, %swap3A_24] : memref<2000x128xf32, #tpu.memory_space<vmem>>, vector<2000x128xf32>
    tpu.vector_store %arg5[%swap3A, %swap3A_24], %add3A_23 {strides = array<i32>} : memref<2000x128xf32, #tpu.memory_space<vmem>>, vector<2000x128xf32>,
    return
  }
  func.func @transform_0(%arg0: i32) -> (i32, i32, i32) {
    %c0_i32 = arith.constant 0 : i32
    %c0_i32_0 = arith.constant 0 : i32
    %c0_i32_1 = arith.constant 0 : i32
    return %c0_i32, %arg0, %c0_i32_0 : i32, i32, i32
  }
  func.func @transform_1(%arg0: i32) -> (i32, i32) {
    %c0_i32 = arith.constant 0 : i32
    %c0_i32_0 = arith.constant 0 : i32
    return %arg0, %c0_i32 : i32, i32
  }
  func.func @transform_2(%arg0: i32) -> (i32, i32) {
    %c0_i32 = arith.constant 0 : i32
    %c0_i32_0 = arith.constant 0 : i32
    %c0_i32_1 = arith.constant 0 : i32
    return %c0_i32, %c0_i32_0 : i32, i32
  }
  func.func @transform_3(%arg0: i32) -> (i32, i32) {
    %c0_i32 = arith.constant 0 : i32
    %c0_i32_0 = arith.constant 0 : i32
    %c0_i32_1 = arith.constant 0 : i32
    return %c0_i32, %c0_i32_0 : i32, i32
  }
  func.func @transform_4(%arg0: i32) -> (i32, i32) {
    %c0_i32 = arith.constant 0 : i32
    %c0_i32_0 = arith.constant 0 : i32
    return %arg0, %c0_i32 : i32, i32
  }
}

</mosaic_0001>

<sc_bundles>
// kernel: kernel.4.cloned.1.call-start
scs
__scs_entry_jumppad:
0x0: {  	(pc) =	sbr.rel $0x88, $3  }
0x1: {  	(tag) =	ssettag $0x0;
	lr =	simm.s32 $0x1  }
0x2: {  	[smem:$0x3F9D] =	sst lr;
	_ =	strace $0xD0000000  }
0x3: {  	_ = 	snop  }
0x4: {  	_ = 	snop  }
0x5: {  	_ = 	snop  }
0x6: {  	_ = 	snop  }
0x7: {  	_ = 	snop  }
__scs_overlays_trampoline_lowered:
0x8: {  	[smem:$0x3FAC] =	sst s0  }
0x9: {  	[smem:$0x3FAD] =	sst s1  }
0xa: {  	[smem:$0x3FAE] =	sst s2  }
0xb: {  	[smem:$0x3FAF] =	sst s3  }
0xc: {  	[smem:$0x3FB0] =	sst s4  }
0xd: {  	[smem:$0x3FB1] =	sst s5  }
0xe: {  	[smem:$0x3FB2] =	sst s6  }
0xf: {  	[smem:$0x3FB3] =	sst s7  }
0x10: {  	[smem:$0x3FB4] =	sst s8  }
0x11: {  	[smem:$0x3FB5] =	sst s9;
	s0 =	simm.s32 @!p0 $0x0  }
0x12: {  	s1 =	sld [smem:$0x3F9B];
	s0 =	simm.s32 @p0 $0x1  }
0x13: {  	[smem:$0x3FB6] =	sst s0;
	s0 =	simm.s32 @!p1 $0x0  }
0x14: {  	s2 =	sld [smem:$0x3F9A];
	s0 =	simm.s32 @p1 $0x1  }
0x15: {  	[smem:$0x3FB7] =	sst s0;
	s0 =	simm.s32 @!p2 $0x0  }
0x16: {  	s3 =	sld [smem:$0x3FDB];
	s0 =	simm.s32 @p2 $0x1  }
0x17: {  	s4 =	simm.s32 $0x1BF5;
	[smem:$0x3FB9] =	sst s0  }
0x18: {  	s0 =	sld [smem:$0x3F9C];
	_ =	swait.ge [sflag:s4], $0x0  }
0x19: {  	s7 =	sld [smem:$0x3F9D]  }
0x1a: {  	s8 =	sadd.s32 $0xFFFFE003, lr  }
0x1b: {  	s9 =	sadd.s32 $0xFFFFFEF7, lr;
	s5 =	simm.s32 $0xFFFFFFFF;
	p2 =	slt.u32 s8, $0xFFFFF086  }
0x1c: {  	p1 =	slt.u32 s9, $0xF7A;
	s5 =	simm.s32 @!p2 $0x0  }
0x1d: {  	s5 =	simm.s32 @p1 $0x1;
	p0 =	seq.s32 s7, s2  }
0x1e: {  	s7 =	smul.u32 @!p0 $0xF7A, s2;
	p2 =	seq.s32 @!p0 s5, $0x0  }
0x1f: {  	s9 =	smul.u32 $0xF7A, s1;
	s8 =	simm.s32 @!p0 $0x1BF5;
	p2 =	por !p2, p0  }
0x20: {  	[sflag:s8] =	ssyncset.s32 @!p0 $0xFFFFF086;
	s6 =	sadd.s32 @!p0 s3, s7;
	s7 =	simm.s32 @!p0 $0x108  }
0x21: {  	s3 =	sadd.s32 s3, s9;
	s6 =	sadd.s32 @!p0 $0x88, s6;
	s7 =	simm.s32 @p2 $0x1082  }
0x22: {  	[simem:s7], [sflag:s8] =	dma.local @!p0 [hbm:s6], $0xF7A  }
0x23: {  	s9 =	sor.u32 $0xD0000000, s2;
	s6 =	simm.s32 $0x108;
	_ =	swait.ge @!p0 [sflag:s8], $0x0  }
0x24: {  	s3 =	sadd.s32 $0x88, s3;
	s6 =	simm.s32 @!p1 $0x1082;
	[sflag:s4] =	ssyncset.s32 $0xFFFFF086  }
0x25: {  	[simem:s6], [sflag:s4] =	dma.local [hbm:s3], $0xF7A  }
0x26: {  	[smem:$0x3F9D] =	sst s1;
	(tag) =	ssettag s2;
	_ =	strace s9  }
0x27: {  	s1 =	sld [smem:$0x3FAD]  }
0x28: {  	s2 =	sld [smem:$0x3FAE]  }
0x29: {  	s4 =	sld [smem:$0x3FB0]  }
0x2a: {  	p0 =	seq.s32 s5, $0x0;
	s5 =	sld [smem:$0x3FB1]  }
0x2b: {  	s6 =	sld [smem:$0x3FB2]  }
0x2c: {  	s7 =	sld [smem:$0x3FB3]  }
0x2d: {  	s3 =	simm.s32 $0x108;
	s8 =	sld [smem:$0x3FB4]  }
0x2e: {  	s3 =	simm.s32 @!p0 $0x1082;
	s9 =	sld [smem:$0x3FB5]  }
0x2f: {  	lr =	sadd.s32 s0, s3;
	s0 =	sld [smem:$0x3FAC]  }
0x30: {  	s3 =	sld [smem:$0x3FAF]  }
0x31: {  	[smem:$0x3FB8] =	sst s10  }
0x32: {  	s10 =	sld [smem:$0x3FB6];
	_ =	sdelay $0x3  }
0x33: {  	p0 =	seq.s32 s10, $0x1;
	s10 =	sld [smem:$0x3FB8];
	_ =	sdelay $0x3  }
0x34: {  	[smem:$0x3FB8] =	sst s10  }
0x35: {  	s10 =	sld [smem:$0x3FB7];
	_ =	sdelay $0x3  }
0x36: {  	p1 =	seq.s32 s10, $0x1;
	s10 =	sld [smem:$0x3FB8];
	_ =	sdelay $0x3  }
0x37: {  	[smem:$0x3FB8] =	sst s10  }
0x38: {  	s10 =	sld [smem:$0x3FB9]  }
0x39: {  	_ = 	snop;
	(pc) =	sbr.ind lr, $3  }
0x3a: {  	_ = 	snop  }
0x3b: {  	_ = 	snop  }
0x3c: {  	p2 =	seq.s32 s10, $0x1;
	s10 =	sld [smem:$0x3FB8]  }
0x3d: {  	_ =	shalt  }
0x3e: {  	_ =	shalt  }
0x3f: {  	_ =	shalt  }
0x40: {  	_ =	shalt  }
0x41: {  	_ =	shalt  }
0x42: {  	_ =	shalt  }
0x43: {  	_ =	shalt  }
0x44: {  	_ =	shalt  }
0x45: {  	_ =	shalt  }
0x46: {  	_ =	shalt  }
0x47: {  	_ =	shalt  }
0x48: {  	_ =	shalt  }
0x49: {  	_ =	shalt  }
0x4a: {  	_ =	shalt  }
0x4b: {  	_ =	shalt  }
0x4c: {  	_ =	shalt  }
0x4d: {  	_ =	shalt  }
0x4e: {  	_ =	shalt  }
0x4f: {  	_ =	shalt  }
0x50: {  	_ =	shalt  }
0x51: {  	_ =	shalt  }
0x52: {  	_ =	shalt  }
0x53: {  	_ =	shalt  }
0x54: {  	_ =	shalt  }
0x55: {  	_ =	shalt  }
0x56: {  	_ =	shalt  }
0x57: {  	_ =	shalt  }
0x58: {  	_ =	shalt  }
0x59: {  	_ =	shalt  }
0x5a: {  	_ =	shalt  }
0x5b: {  	_ =	shalt  }
0x5c: {  	_ =	shalt  }
0x5d: {  	_ =	shalt  }
0x5e: {  	_ =	shalt  }
0x5f: {  	_ =	shalt  }
0x60: {  	_ =	shalt  }
0x61: {  	_ =	shalt  }
0x62: {  	_ =	shalt  }
0x63: {  	_ =	shalt  }
0x64: {  	_ =	shalt  }
0x65: {  	_ =	shalt  }
0x66: {  	_ =	shalt  }
0x67: {  	_ =	shalt  }
0x68: {  	_ =	shalt  }
0x69: {  	_ =	shalt  }
0x6a: {  	_ =	shalt  }
0x6b: {  	_ =	shalt  }
0x6c: {  	_ =	shalt  }
0x6d: {  	_ =	shalt  }
0x6e: {  	_ =	shalt  }
0x6f: {  	_ =	shalt  }
0x70: {  	_ =	shalt  }
0x71: {  	_ =	shalt  }
0x72: {  	_ =	shalt  }
0x73: {  	_ =	shalt  }
0x74: {  	_ =	shalt  }
0x75: {  	_ =	shalt  }
0x76: {  	_ =	shalt  }
0x77: {  	_ =	shalt  }
0x78: {  	_ =	shalt  }
0x79: {  	_ =	shalt  }
0x7a: {  	_ =	shalt  }
0x7b: {  	_ =	shalt  }
0x7c: {  	_ =	shalt  }
0x7d: {  	_ =	shalt  }
0x7e: {  	_ =	shalt  }
0x7f: {  	_ =	shalt  }
0x80: {  	_ =	shalt  }
0x81: {  	_ =	shalt  }
0x82: {  	_ =	shalt  }
0x83: {  	_ =	shalt  }
0x84: {  	_ =	shalt  }
0x85: {  	_ =	shalt  }
0x86: {  	_ =	shalt  }
0x87: {  	_ =	shalt  }
.Lfunc_end0:
.L_simem_size_0:
called_computation_lowered:
.L_overlay_start_0:
0x88: {  	s2 =	sld [smem:$0x3FD9]  }
0x89: {  	s3 =	sld [smem:$0x3FFE];
	_ =	sdelay $0x1  }
0x8a: {  	s1 =	srdreg.scid  }
0x8b: {  	s0 =	sand.u32 $0x1, s1  }
0x8c: {  	s17 =	sshll.u32 s0, $0xA;
	s2 =	sadd.s32 s3, s2  }
0x8d: {  	s2 =	sadd.s32 s2, s17  }
0x8e: {  	[smem:$0x3FC4] =	sst s2  }
0x8f: {  	_ = 	snop  }
0x90: {  	s2 =	sld [smem:$0x3FC9]  }
0x91: {  	s18 =	sld [smem:$0x3FD0];
	(tm) =	ssettm $0x1  }
0x92: {  	s4 =	sld [smem:$0x3FFB];
	_ =	sdelay $0x3  }
0x93: {  	_ =	strace s4  }
0x94: {  	s4 =	sld [smem:$0x3FFC];
	_ =	sdelay $0x3  }
0x95: {  	_ =	strace s4  }
0x96: {  	s4 =	sld [smem:$0x3FFD];
	_ =	sdelay $0x3  }
0x97: {  	_ =	strace s4  }
0x98: {  	_ =	strace $0x8FFFFFFF  }
0x99: {  	s19 =	sld [smem:$0x3FDB];
	_ =	sdelay $0x1  }
0x9a: {  	s5 =	simm.s32 $_scs_section_size  }
0x9b: {  	s6 =	simm.s32 $_size__tile_overlayer_lowered;
	s7 =	simm.s32 $_tile_overlayer_lowered  }
0x9c: {  	s22 =	simm.s32 $0x1BFF;
	s21 =	sshll.u32 s7, $0x1;
	s4 =	sadd.s32 s5, s19  }
0x9d: {  	s8 =	simm.s32 $0x0;
	s20 =	sshll.u32 s6, $0x1;
	s6 =	sadd.s32 s21, s4  }
0x9e: {  	[timem:s8], [sflag:s22] =	dma.local [hbm:s6], s20  }
0x9f: {  	_ =	swait.ge [sflag:s22], s20  }
0xa0: {  	s5 =	ssub.s32 $0x0, s20;
	[sflag:s22] =	ssyncset.done $0x0  }
0xa1: {  	[sflag:s22] =	ssyncadd.s32 s5;
	_ =	sdelay $0x1  }
0xa2: {  	s23 =	simm.s32 $0x1B8B  }
0xa3: {  	_ =	swait.ge [sflag:s23], $0x1  }
0xa4: {  	[sflag:s23] =	ssyncset.done $0x0  }
0xa5: {  	s25 =	simm.s32 $0x1B8E;
	s24 =	sld [smem:$0x3FFE];
	[sflag:s23] =	ssyncadd.s32 $0xFFFFFFFF  }
0xa6: {  	s26 =	simm.s32 $execute0_lowered;
	[smem:$0x3FD2] =	sst s25  }
0xa7: {  	s6 =	sshll.u32 s26, $0x1;
	_ =	strace $0x80000046;
	[dreg:$0x1] =	wrdreg $0xFFFFFFFF  }
0xa8: {  	s28 =	simm.s32 $_size_execute0_lowered;
	s4 =	sadd.s32 s4, s6;
	[dreg:$0x0] =	wrdreg $0x0  }
0xa9: {  	s6 =	sshll.u32 s28, $0x1;
	[dreg:$0x2] =	wrdreg s4  }
0xaa: {  	[dreg:$0x3] =	wrdreg s6  }
0xab: {  	[dreg:$0x4] =	wrdreg $0xC0  }
0xac: {  	_ =	task [dreg:s8], $0x5FFFF  }
0xad: {  	[dreg:$0x1] =	wrdreg $0xFFFFFFFF  }
0xae: {  	[dreg:$0x0] =	wrdreg $0x60  }
0xaf: {  	[dreg:$0x2] =	wrdreg s18  }
0xb0: {  	[dreg:$0x3] =	wrdreg s24  }
0xb1: {  	[dreg:$0x4] =	wrdreg s2  }
0xb2: {  	[dreg:$0x5] =	wrdreg $0xB8800  }
0xb3: {  	[dreg:$0x6] =	wrdreg $0x9  }
0xb4: {  	_ =	task.clear_ibuf [dreg:s8], $0x7FFFF;
	_ =	strace $0x90000046  }
0xb5: {  	s29 =	simm.s32 $0x9;
	_ =	strace $0x80000048  }
0xb6: {  	_ =	swait.ge [sflag:s29], $0x1  }
0xb7: {  	[sflag:s29] =	ssyncadd.s32 $0xFFFFFFFF  }
0xb8: {  	_ =	strace $0x90000048  }
0xb9: {  	_ =	sfence  }
0xba: {  	s30 =	sld [smem:$0x0];
	_ =	sdelay $0x2  }
0xbb: {  	s31 =	sshll.u32 s1, $0xD;
	s1 =	sshrl.u32 s1, $0x2  }
0xbc: {  	s3 =	sand.u32 $0x4000, s31;
	s1 =	sadd.s32 s1, s30  }
0xbd: {  	s0 =	sor.u32 s3, s0;
	s1 =	sshll.u32 s1, $0x11  }
0xbe: {  	s0 =	sor.u32 s1, s0  }
0xbf: {  	s0 =	sadd.s32 $0x8F2B, s0  }
0xc0: {  	[sflag:s0] =	ssyncadd.remote.s32 $0x1  }
0xc1: {  	_ =	sfence.sel $0xFFFF  }
0xc2: {  	[dreg:$0x0] =	wrdreg $0xFFFFFFFF;
	(pc) =	sbr.abs _section_cstart, $3  }
0xc3: {  	[dreg:$0x1] =	wrdreg $0xFFFFFFFF  }
0xc4: {  	_ =	task.clear_ibuf [dreg:s8], $0x2FFFF;
	_ =	strace $0x9FFFFFFF  }
0xc5: {  	(tm) =	ssettm $0x7FFFFFFF  }
tec
execute0_lowered:
.L_overlay_start_1:
0x0: {  	(tag) =	ssettag $0x1  }
0x1: {  	s0 =	rddreg [dreg:$0x0]  }
0x2: {  	s4 =	rddreg [dreg:$0x1]  }
0x3: {  	s1 =	rddreg [dreg:$0x2]  }
0x4: {  	s2 =	rddreg [dreg:$0x3];
	s3 =	simm.s32 $0x0;
	s5 =	srdreg.scid  }
0x5: {  	s15 =	stileid.u32;
	s11 =	simm.s32 $0xA880;
	[smem:$0x7FF] =	sst s3  }
0x6: {  	s12 =	simm.s32 $0xA900;
	_ =	strace $0x80000047;
	[dreg:$0x5] =	wrdreg s11  }
0x7: {  	s13 =	simm.s32 $0xAC80;
	s17 =	simm.s32 $0xA980;
	[dreg:$0x6] =	wrdreg s12  }
0x8: {  	s19 =	simm.s32 $0xAD00;
	s20 =	simm.s32 $0xAA00;
	[dreg:$0x7] =	wrdreg s13  }
0x9: {  	s21 =	simm.s32 $0xAD80;
	s22 =	simm.s32 $0xAA80;
	[dreg:$0x8] =	wrdreg s17  }
0xa: {  	s24 =	simm.s32 $0xAB00;
	s25 =	simm.s32 $0xAE80;
	[dreg:$0x9] =	wrdreg s19  }
0xb: {  	s26 =	simm.s32 $0xAB80;
	s28 =	simm.s32 $0x3;
	[dreg:$0xa] =	wrdreg s20  }
0xc: {  	s29 =	simm.s32 $0x4;
	s30 =	simm.s32 $0x6;
	[dreg:$0xb] =	wrdreg s21  }
0xd: {  	s31 =	simm.s32 $0xB700;
	s6 =	sand.u32 $0x1, s5;
	[dreg:$0xc] =	wrdreg s22  }
0xe: {  	s8 =	smul.u32 $0x50000, s15;
	s14 =	sadd.s32 $0x400, s4;
	[dreg:$0xe] =	wrdreg s24  }
0xf: {  	s5 =	smul.u32 $0x28000, s6;
	s7 =	ssub.s32 $0x2, s6;
	[dreg:$0xf] =	wrdreg s25  }
0x10: {  	s12 =	simm.s32 $0xAE00;
	s24 =	smul.u32 $0x2800, s15;
	[dreg:$0x10] =	wrdreg s26  }
0x11: {  	s13 =	simm.s32 $0xAF00;
	s17 =	simm.s32 $0xB180;
	[dreg:$0xd] =	wrdreg s12  }
0x12: {  	s19 =	simm.s32 $0xB200;
	s20 =	simm.s32 $0xB580;
	[dreg:$0x11] =	wrdreg s13  }
0x13: {  	s21 =	simm.s32 $0xB280;
	s22 =	simm.s32 $0xB600;
	[dreg:$0x16] =	wrdreg s17  }
0x14: {  	s25 =	simm.s32 $0xB680;
	s26 =	simm.s32 $0xB380;
	[dreg:$0x18] =	wrdreg s19  }
0x15: {  	s9 =	sshrl.u32 s7, $0x1;
	s10 =	sshrl.u32 s8, $0x2;
	[dreg:$0x19] =	wrdreg s20  }
0x16: {  	s8 =	simm.s32 $0xAF80;
	s13 =	simm.s32 $0xB100;
	[dreg:$0x1a] =	wrdreg s21  }
0x17: {  	s17 =	simm.s32 $0xAC00;
	[dreg:$0x1b] =	wrdreg s22;
	s19 =	simm.s32 $0xB000  }
0x18: {  	s20 =	simm.s32 $0xB400;
	[dreg:$0x1d] =	wrdreg s25;
	s21 =	simm.s32 $0x80  }
0x19: {  	s22 =	simm.s32 $0x1;
	[dreg:$0x1e] =	wrdreg s26;
	s25 =	simm.s32 $0x8000  }
0x1a: {  	s26 =	simm.s32 $0x2;
	s4 =	sadd.s32 s5, s4;
	s7 =	ssub.s32 s7, s9  }
0x1b: {  	s5 =	sadd.s32 s10, s2;
	s10 =	sshll.u32 s6, $0x4;
	[dreg:$0x12] =	wrdreg s8  }
0x1c: {  	s6 =	smul.u32 $0x5000, s6;
	[dreg:$0x14] =	wrdreg s13;
	s9 =	sadd.s32 $0x4000, s5  }
0x1d: {  	s16 =	sadd.s32 $0x8000, s5;
	s18 =	sadd.s32 $0xC000, s5;
	[dreg:$0x1f] =	wrdreg s9  }
0x1e: {  	s10 =	sor.u32 s15, s10;
	s23 =	sadd.s32 $0x10000, s5;
	[smem:$0x7FB] =	sst s16  }
0x1f: {  	s4 =	sadd.s32 $0xA400, s4;
	s12 =	smax.u32 s7, $0x1;
	[smem:$0x7FC] =	sst s18  }
0x20: {  	s15 =	smul.u32 $0x500, s15;
	[smem:$0x7FD] =	sst s23;
	s9 =	simm.s32 $0xB080  }
0x21: {  	s11 =	smul.u32 $0x500, s10;
	s16 =	simm.s32 $0xB480;
	[dreg:$0x13] =	wrdreg s9  }
0x22: {  	s18 =	simm.s32 $0xB500;
	s23 =	simm.s32 $0xB300;
	[dreg:$0x15] =	wrdreg s16  }
0x23: {  	s24 =	sadd.s32 s24, s4;
	s4 =	simm.s32 $0x0;
	[dreg:$0x17] =	wrdreg s18  }
0x24: {  	s16 =	simm.s32 $0xA800;
	s18 =	simm.s32 $0x5;
	[dreg:$0x1c] =	wrdreg s23  }
0x25: {  	v0 =	vimm.f32 $0.0e+00;
	v6 =	vlaneseq.u32;
	s23 =	simm.s32 $0x4000;
	s10 =	sadd.s32 s0, s11;
	s0 =	sadd.s32 s6, s0  }
0x26: {  	v1 =	vimm.f32 $1.000000000e+00;
	v2 =	vor.u32 $0x2760, v6;
	v3 =	vor.u32 $0x2770, v6;
	s11 =	sadd.s32 s14, s11;
	s6 =	sadd.s32 s6, s14;
	s13 =	sadd.s32 s15, s0  }
0x27: {  	v4 =	vor.u32 $0x2780, v6;
	v5 =	vor.u32 $0x2790, v6;
	v6 =	vor.u32 $0x27A0, v6;
	s14 =	sadd.s32 s15, s6;
	s15 =	simm.s32 $0x7;
	s0 =	simm.s32 $0xB780  }
.LBB2_1:
0x28: {  	s6 =	simm.s32 $0x0;
	s7 =	simm.s32 $0x200  }
.LBB2_2:
0x29: {  	p0 =	sne.s32 s7, $0xFE00;
	[tilespmem:s6+$0x70] =	vst v0  }
0x2a: {  	[tilespmem:s6+$0x0] =	vst v0  }
0x2b: {  	[tilespmem:s6+$0x10] =	vst v0  }
.Ltmp0:
0x2c: {  	[tilespmem:s6+$0x20] =	vst v0;
	(pc) =	sbr.rel @p0 .LBB2_2-.Ltmp0, $4  }
0x2d: {  	[tilespmem:s6+$0x30] =	vst v0  }
0x2e: {  	[tilespmem:s6+$0x40] =	vst v0  }
0x2f: {  	[tilespmem:s6+$0x50] =	vst v0  }
0x30: {  	[tilespmem:s6+$0x60] =	vst v0;
	s6 =	sshra.s32 s7, $0x2;
	s7 =	sadd.s32 $0x200, s7  }
0x31: {  	[tilespmem:s6+$0x70] =	vst v0  }
0x32: {  	[tilespmem:s6+$0x0] =	vst v0  }
0x33: {  	[tilespmem:s6+$0x10] =	vst v0  }
0x34: {  	[tilespmem:s6+$0x20] =	vst v0  }
0x35: {  	[tilespmem:s6+$0x30] =	vst v0  }
0x36: {  	[tilespmem:s6+$0x40] =	vst v0  }
0x37: {  	[tilespmem:s6+$0x50] =	vst v0  }
0x38: {  	[tilespmem:s6+$0x60] =	vst v0;
	s6 =	simm.s32 $0x70;
	s7 =	simm.s32 $0x3C0  }
.LBB2_4:
0x39: {  	p0 =	sne.s32 s7, $0x9FC0;
	[tilespmem:s6+$0x8000] =	vst v0  }
0x3a: {  	[tilespmem:s6+$0x7F90] =	vst v0  }
0x3b: {  	[tilespmem:s6+$0x7FA0] =	vst v0  }
.Ltmp1:
0x3c: {  	[tilespmem:s6+$0x7FB0] =	vst v0;
	(pc) =	sbr.rel @p0 .LBB2_4-.Ltmp1, $4  }
0x3d: {  	[tilespmem:s6+$0x7FC0] =	vst v0  }
0x3e: {  	[tilespmem:s6+$0x7FD0] =	vst v0  }
0x3f: {  	[tilespmem:s6+$0x7FE0] =	vst v0  }
0x40: {  	[tilespmem:s6+$0x7FF0] =	vst v0;
	s6 =	sshra.s32 s7, $0x2;
	s7 =	sadd.s32 $0x200, s7  }
0x41: {  	[tilespmem:s6+$0x8000] =	vst v0  }
0x42: {  	[tilespmem:s6+$0x7F90] =	vst v0  }
0x43: {  	[tilespmem:s6+$0x7FA0] =	vst v0  }
0x44: {  	[tilespmem:s6+$0x7FB0] =	vst v0  }
0x45: {  	[tilespmem:s6+$0x7FC0] =	vst v0  }
0x46: {  	[tilespmem:s6+$0x7FD0] =	vst v0  }
0x47: {  	[tilespmem:s6+$0x7FE0] =	vst v0  }
0x48: {  	[tilespmem:s6+$0x7FF0] =	vst v0;
	s6 =	simm.s32 $0x0  }
0x49: {  	[spmem:s5] =	stream.linear.scatter [tilespmem:s6], [sflag:$0x7], $0x4000, $0x38;
	[tilespmem:$0x1F880] =	vst v63  }
0x4a: {  	_ =	swait.ge [sflag:s15], $0x4000  }
0x4b: {  	[sflag:s15] =	ssyncset.done $0x0  }
0x4c: {  	s7 =	rddreg [dreg:$0x1f];
	[sflag:s15] =	ssyncadd.s32 $0xFFFFC000  }
0x4d: {  	[spmem:s7] =	stream.linear.scatter [tilespmem:s6], [sflag:$0x7], $0x4000, $0x38;
	[tilespmem:$0x1F880] =	vst v63  }
0x4e: {  	_ =	swait.ge [sflag:s15], $0x4000  }
0x4f: {  	s9 =	sld [smem:$0x7FB]  }
0x50: {  	[sflag:s15] =	ssyncset.done $0x0  }
0x51: {  	[sflag:s15] =	ssyncadd.s32 $0xFFFFC000  }
0x52: {  	[spmem:s9] =	stream.linear.scatter [tilespmem:s6], [sflag:$0x7], $0x4000, $0x38;
	[tilespmem:$0x1F880] =	vst v63  }
0x53: {  	_ =	swait.ge [sflag:s15], $0x4000  }
0x54: {  	s8 =	sld [smem:$0x7FC]  }
0x55: {  	[sflag:s15] =	ssyncset.done $0x0  }
0x56: {  	[sflag:s15] =	ssyncadd.s32 $0xFFFFC000  }
0x57: {  	[spmem:s8] =	stream.linear.scatter [tilespmem:s6], [sflag:$0x7], $0x4000, $0x38;
	[tilespmem:$0x1F880] =	vst v63  }
0x58: {  	_ =	swait.ge [sflag:s15], $0x4000  }
0x59: {  	s9 =	sld [smem:$0x7FD]  }
0x5a: {  	[sflag:s15] =	ssyncset.done $0x0  }
0x5b: {  	[sflag:s15] =	ssyncadd.s32 $0xFFFFC000  }
0x5c: {  	[spmem:s9] =	stream.linear.scatter [tilespmem:s6], [sflag:$0x7], $0x4000, $0x38;
	[tilespmem:$0x1F880] =	vst v63  }
0x5d: {  	_ =	swait.ge [sflag:s15], $0x4000  }
0x5e: {  	[sflag:s15] =	ssyncset.done $0x0  }
0x5f: {  	[sflag:s15] =	ssyncadd.s32 $0xFFFFC000  }
0x60: {  	[bflag:$0x0] =	sbarrier.arrive $0xFFFF  }
0x61: {  	[tilespmem:s16], [sflag:$0x5] =	stream.linear.gather [hbm4b:s10+s6], $0x400, $0x38;
	[tilespmem:$0x1F880] =	vst v63  }
0x62: {  	_ = 	snop  }
0x63: {  	[tilespmem:s17], [sflag:$0x5] =	stream.linear.gather [hbm4b:s11+s6], $0x400, $0x38;
	[tilespmem:$0x1F880] =	vst v63  }
.LBB2_6:
0x64: {  	_ =	swait.ge [sflag:s18], $0x400  }
0x65: {  	[sflag:s18] =	ssyncset.done $0x0  }
0x66: {  	[sflag:s18] =	ssyncadd.s32 $0xFFFFFC00  }
0x67: {  	_ =	swait.ge [sflag:s18], $0x400  }
0x68: {  	s7 =	sadd.s32 s6, s13;
	[sflag:s18] =	ssyncset.done $0x0  }
0x69: {  	s9 =	sadd.s32 s6, s14;
	s7 =	sadd.s32 $0x80, s7;
	[sflag:s18] =	ssyncadd.s32 $0xFFFFFC00  }
0x6a: {  	[tilespmem:s19], [sflag:$0x6] =	stream.linear.gather [hbm4b:s7+s3], $0x400, $0x38;
	[tilespmem:$0x1F880] =	vst v63  }
0x6b: {  	s7 =	sadd.s32 $0x80, s9  }
0x6c: {  	[tilespmem:s20], [sflag:$0x6] =	stream.linear.gather [hbm4b:s7+s3], $0x400, $0x38;
	[tilespmem:$0x1F880] =	vst v63  }
0x6d: {  	_ = 	snop  }
0x6e: {  	[tilespmem:s3], [sflag:$0x1] =	stream.indirect.gather [hbm4b:s1+s21], $0x80, s16, s21, $0xb8;
	[tilespmem:$0x1F880] =	vst v63  }
0x6f: {  	_ =	swait.ge [sflag:s22], $0x4000  }
0x70: {  	[sflag:s22] =	ssyncset.done $0x0  }
0x71: {  	s8 =	rddreg [dreg:$0x5];
	[sflag:s22] =	ssyncadd.s32 $0xFFFFC000  }
0x72: {  	[tilespmem:s23], [sflag:$0x2] =	stream.indirect.gather [hbm4b:s1+s21], $0x80, s8, s21, $0xb8;
	[tilespmem:$0x1F880] =	vst v63  }
0x73: {  	_ = 	snop  }
0x74: {  	[spmem:s2] =	stream.indirect.scatter.add.f32 [tilespmem:s3], [sflag:$0x3], $0x80, s17, s21, $0xb8;
	[tilespmem:$0x1F880] =	vst v63  }
0x75: {  	v7 =	vld [tilespmem:$0xAC00];
	_ =	sdelay $0x7  }
0x76: {  	[tilespmem:v7+s25+$0x0] =	vst.idx.add.f32.msk $0xffff, v1  }
0x77: {  	v7 =	vld [tilespmem:$0xAC10];
	_ =	sdelay $0x7  }
0x78: {  	[tilespmem:v7+s25+$0x0] =	vst.idx.add.f32.msk $0xffff, v1  }
0x79: {  	v7 =	vld [tilespmem:$0xAC20];
	_ =	sdelay $0x7  }
0x7a: {  	[tilespmem:v7+s25+$0x0] =	vst.idx.add.f32.msk $0xffff, v1  }
0x7b: {  	v7 =	vld [tilespmem:$0xAC30];
	_ =	sdelay $0x7  }
0x7c: {  	[tilespmem:v7+s25+$0x0] =	vst.idx.add.f32.msk $0xffff, v1  }
0x7d: {  	v7 =	vld [tilespmem:$0xAC40];
	_ =	sdelay $0x7  }
0x7e: {  	[tilespmem:v7+s25+$0x0] =	vst.idx.add.f32.msk $0xffff, v1  }
0x7f: {  	v7 =	vld [tilespmem:$0xAC50];
	_ =	sdelay $0x7  }
0x80: {  	[tilespmem:v7+s25+$0x0] =	vst.idx.add.f32.msk $0xffff, v1  }
0x81: {  	v7 =	vld [tilespmem:$0xAC60];
	_ =	sdelay $0x7  }
0x82: {  	[tilespmem:v7+s25+$0x0] =	vst.idx.add.f32.msk $0xffff, v1  }
0x83: {  	v7 =	vld [tilespmem:$0xAC70];
	_ =	sdelay $0x7  }
0x84: {  	[tilespmem:v7+s25+$0x0] =	vst.idx.add.f32.msk $0xffff, v1  }
0x85: {  	_ =	swait.ge [sflag:s26], $0x4000  }
0x86: {  	[sflag:s26] =	ssyncset.done $0x0  }
0x87: {  	[sflag:s26] =	ssyncadd.s32 $0xFFFFC000  }
0x88: {  	_ =	swait.ge [sflag:s28], $0x4000  }
0x89: {  	[sflag:s28] =	ssyncset.done $0x0  }
0x8a: {  	s9 =	rddreg [dreg:$0x6];
	[sflag:s28] =	ssyncadd.s32 $0xFFFFC000  }
0x8b: {  	[tilespmem:s3], [sflag:$0x1] =	stream.indirect.gather [hbm4b:s1+s21], $0x80, s9, s21, $0xb8;
	[tilespmem:$0x1F880] =	vst v63  }
0x8c: {  	s8 =	rddreg [dreg:$0x7]  }
0x8d: {  	[spmem:s2] =	stream.indirect.scatter.add.f32 [tilespmem:s23], [sflag:$0x4], $0x80, s8, s21, $0xb8;
	[tilespmem:$0x1F880] =	vst v63  }
0x8e: {  	v7 =	vld [tilespmem:$0xAC80];
	_ =	sdelay $0x7  }
0x8f: {  	[tilespmem:v7+s25+$0x0] =	vst.idx.add.f32.msk $0xffff, v1  }
0x90: {  	v7 =	vld [tilespmem:$0xAC90];
	_ =	sdelay $0x7  }
0x91: {  	[tilespmem:v7+s25+$0x0] =	vst.idx.add.f32.msk $0xffff, v1  }
0x92: {  	v7 =	vld [tilespmem:$0xACA0];
	_ =	sdelay $0x7  }
0x93: {  	[tilespmem:v7+s25+$0x0] =	vst.idx.add.f32.msk $0xffff, v1  }
0x94: {  	v7 =	vld [tilespmem:$0xACB0];
	_ =	sdelay $0x7  }
0x95: {  	[tilespmem:v7+s25+$0x0] =	vst.idx.add.f32.msk $0xffff, v1  }
0x96: {  	v7 =	vld [tilespmem:$0xACC0];
	_ =	sdelay $0x7  }
0x97: {  	[tilespmem:v7+s25+$0x0] =	vst.idx.add.f32.msk $0xffff, v1  }
0x98: {  	v7 =	vld [tilespmem:$0xACD0];
	_ =	sdelay $0x7  }
0x99: {  	[tilespmem:v7+s25+$0x0] =	vst.idx.add.f32.msk $0xffff, v1  }
0x9a: {  	v7 =	vld [tilespmem:$0xACE0];
	_ =	sdelay $0x7  }
0x9b: {  	[tilespmem:v7+s25+$0x0] =	vst.idx.add.f32.msk $0xffff, v1  }
0x9c: {  	v7 =	vld [tilespmem:$0xACF0];
	_ =	sdelay $0x7  }
0x9d: {  	[tilespmem:v7+s25+$0x0] =	vst.idx.add.f32.msk $0xffff, v1  }
0x9e: {  	_ =	swait.ge [sflag:s22], $0x4000  }
0x9f: {  	[sflag:s22] =	ssyncset.done $0x0  }
0xa0: {  	[sflag:s22] =	ssyncadd.s32 $0xFFFFC000  }
0xa1: {  	_ =	swait.ge [sflag:s29], $0x4000  }
0xa2: {  	[sflag:s29] =	ssyncset.done $0x0  }
0xa3: {  	s8 =	rddreg [dreg:$0x8];
	[sflag:s29] =	ssyncadd.s32 $0xFFFFC000  }
0xa4: {  	[tilespmem:s23], [sflag:$0x2] =	stream.indirect.gather [hbm4b:s1+s21], $0x80, s8, s21, $0xb8;
	[tilespmem:$0x1F880] =	vst v63  }
0xa5: {  	s9 =	rddreg [dreg:$0x9]  }
0xa6: {  	[spmem:s2] =	stream.indirect.scatter.add.f32 [tilespmem:s3], [sflag:$0x3], $0x80, s9, s21, $0xb8;
	[tilespmem:$0x1F880] =	vst v63  }
0xa7: {  	v7 =	vld [tilespmem:$0xAD00];
	_ =	sdelay $0x7  }
0xa8: {  	[tilespmem:v7+s25+$0x0] =	vst.idx.add.f32.msk $0xffff, v1  }
0xa9: {  	v7 =	vld [tilespmem:$0xAD10];
	_ =	sdelay $0x7  }
0xaa: {  	[tilespmem:v7+s25+$0x0] =	vst.idx.add.f32.msk $0xffff, v1  }
0xab: {  	v7 =	vld [tilespmem:$0xAD20];
	_ =	sdelay $0x7  }
0xac: {  	[tilespmem:v7+s25+$0x0] =	vst.idx.add.f32.msk $0xffff, v1  }
0xad: {  	v7 =	vld [tilespmem:$0xAD30];
	_ =	sdelay $0x7  }
0xae: {  	[tilespmem:v7+s25+$0x0] =	vst.idx.add.f32.msk $0xffff, v1  }
0xaf: {  	v7 =	vld [tilespmem:$0xAD40];
	_ =	sdelay $0x7  }
0xb0: {  	[tilespmem:v7+s25+$0x0] =	vst.idx.add.f32.msk $0xffff, v1  }
0xb1: {  	v7 =	vld [tilespmem:$0xAD50];
	_ =	sdelay $0x7  }
0xb2: {  	[tilespmem:v7+s25+$0x0] =	vst.idx.add.f32.msk $0xffff, v1  }
0xb3: {  	v7 =	vld [tilespmem:$0xAD60];
	_ =	sdelay $0x7  }
0xb4: {  	[tilespmem:v7+s25+$0x0] =	vst.idx.add.f32.msk $0xffff, v1  }
0xb5: {  	v7 =	vld [tilespmem:$0xAD70];
	_ =	sdelay $0x7  }
0xb6: {  	[tilespmem:v7+s25+$0x0] =	vst.idx.add.f32.msk $0xffff, v1  }
0xb7: {  	_ =	swait.ge [sflag:s26], $0x4000  }
0xb8: {  	[sflag:s26] =	ssyncset.done $0x0  }
0xb9: {  	[sflag:s26] =	ssyncadd.s32 $0xFFFFC000  }
0xba: {  	_ =	swait.ge [sflag:s28], $0x4000  }
0xbb: {  	[sflag:s28] =	ssyncset.done $0x0  }
0xbc: {  	s8 =	rddreg [dreg:$0xa];
	[sflag:s28] =	ssyncadd.s32 $0xFFFFC000  }
0xbd: {  	[tilespmem:s3], [sflag:$0x1] =	stream.indirect.gather [hbm4b:s1+s21], $0x80, s8, s21, $0xb8;
	[tilespmem:$0x1F880] =	vst v63  }
0xbe: {  	s9 =	rddreg [dreg:$0xb]  }
0xbf: {  	[spmem:s2] =	stream.indirect.scatter.add.f32 [tilespmem:s23], [sflag:$0x4], $0x80, s9, s21, $0xb8;
	[tilespmem:$0x1F880] =	vst v63  }
0xc0: {  	v7 =	vld [tilespmem:$0xAD80];
	_ =	sdelay $0x7  }
0xc1: {  	[tilespmem:v7+s25+$0x0] =	vst.idx.add.f32.msk $0xffff, v1  }
0xc2: {  	v7 =	vld [tilespmem:$0xAD90];
	_ =	sdelay $0x7  }
0xc3: {  	[tilespmem:v7+s25+$0x0] =	vst.idx.add.f32.msk $0xffff, v1  }
0xc4: {  	v7 =	vld [tilespmem:$0xADA0];
	_ =	sdelay $0x7  }
0xc5: {  	[tilespmem:v7+s25+$0x0] =	vst.idx.add.f32.msk $0xffff, v1  }
0xc6: {  	v7 =	vld [tilespmem:$0xADB0];
	_ =	sdelay $0x7  }
0xc7: {  	[tilespmem:v7+s25+$0x0] =	vst.idx.add.f32.msk $0xffff, v1  }
0xc8: {  	v7 =	vld [tilespmem:$0xADC0];
	_ =	sdelay $0x7  }
0xc9: {  	[tilespmem:v7+s25+$0x0] =	vst.idx.add.f32.msk $0xffff, v1  }
0xca: {  	v7 =	vld [tilespmem:$0xADD0];
	_ =	sdelay $0x7  }
0xcb: {  	[tilespmem:v7+s25+$0x0] =	vst.idx.add.f32.msk $0xffff, v1  }
0xcc: {  	v7 =	vld [tilespmem:$0xADE0];
	_ =	sdelay $0x7  }
0xcd: {  	[tilespmem:v7+s25+$0x0] =	vst.idx.add.f32.msk $0xffff, v1  }
0xce: {  	v7 =	vld [tilespmem:$0xADF0];
	_ =	sdelay $0x7  }
0xcf: {  	[tilespmem:v7+s25+$0x0] =	vst.idx.add.f32.msk $0xffff, v1  }
0xd0: {  	_ =	swait.ge [sflag:s22], $0x4000  }
0xd1: {  	[sflag:s22] =	ssyncset.done $0x0  }
0xd2: {  	[sflag:s22] =	ssyncadd.s32 $0xFFFFC000  }
0xd3: {  	_ =	swait.ge [sflag:s29], $0x4000  }
0xd4: {  	[sflag:s29] =	ssyncset.done $0x0  }
0xd5: {  	s8 =	rddreg [dreg:$0xc];
	[sflag:s29] =	ssyncadd.s32 $0xFFFFC000  }
0xd6: {  	[tilespmem:s23], [sflag:$0x2] =	stream.indirect.gather [hbm4b:s1+s21], $0x80, s8, s21, $0xb8;
	[tilespmem:$0x1F880] =	vst v63  }
0xd7: {  	s9 =	rddreg [dreg:$0xd]  }
0xd8: {  	[spmem:s2] =	stream.indirect.scatter.add.f32 [tilespmem:s3], [sflag:$0x3], $0x80, s9, s21, $0xb8;
	[tilespmem:$0x1F880] =	vst v63  }
0xd9: {  	v7 =	vld [tilespmem:$0xAE00];
	_ =	sdelay $0x7  }
0xda: {  	[tilespmem:v7+s25+$0x0] =	vst.idx.add.f32.msk $0xffff, v1  }
0xdb: {  	v7 =	vld [tilespmem:$0xAE10];
	_ =	sdelay $0x7  }
0xdc: {  	[tilespmem:v7+s25+$0x0] =	vst.idx.add.f32.msk $0xffff, v1  }
0xdd: {  	v7 =	vld [tilespmem:$0xAE20];
	_ =	sdelay $0x7  }
0xde: {  	[tilespmem:v7+s25+$0x0] =	vst.idx.add.f32.msk $0xffff, v1  }
0xdf: {  	v7 =	vld [tilespmem:$0xAE30];
	_ =	sdelay $0x7  }
0xe0: {  	[tilespmem:v7+s25+$0x0] =	vst.idx.add.f32.msk $0xffff, v1  }
0xe1: {  	v7 =	vld [tilespmem:$0xAE40];
	_ =	sdelay $0x7  }
0xe2: {  	[tilespmem:v7+s25+$0x0] =	vst.idx.add.f32.msk $0xffff, v1  }
0xe3: {  	v7 =	vld [tilespmem:$0xAE50];
	_ =	sdelay $0x7  }
0xe4: {  	[tilespmem:v7+s25+$0x0] =	vst.idx.add.f32.msk $0xffff, v1  }
0xe5: {  	v7 =	vld [tilespmem:$0xAE60];
	_ =	sdelay $0x7  }
0xe6: {  	[tilespmem:v7+s25+$0x0] =	vst.idx.add.f32.msk $0xffff, v1  }
0xe7: {  	v7 =	vld [tilespmem:$0xAE70];
	_ =	sdelay $0x7  }
0xe8: {  	[tilespmem:v7+s25+$0x0] =	vst.idx.add.f32.msk $0xffff, v1  }
0xe9: {  	_ =	swait.ge [sflag:s26], $0x4000  }
0xea: {  	[sflag:s26] =	ssyncset.done $0x0  }
0xeb: {  	[sflag:s26] =	ssyncadd.s32 $0xFFFFC000  }
0xec: {  	_ =	swait.ge [sflag:s28], $0x4000  }
0xed: {  	[sflag:s28] =	ssyncset.done $0x0  }
0xee: {  	s8 =	rddreg [dreg:$0xe];
	[sflag:s28] =	ssyncadd.s32 $0xFFFFC000  }
0xef: {  	[tilespmem:s3], [sflag:$0x1] =	stream.indirect.gather [hbm4b:s1+s21], $0x80, s8, s21, $0xb8;
	[tilespmem:$0x1F880] =	vst v63  }
0xf0: {  	s9 =	rddreg [dreg:$0xf]  }
0xf1: {  	[spmem:s2] =	stream.indirect.scatter.add.f32 [tilespmem:s23], [sflag:$0x4], $0x80, s9, s21, $0xb8;
	[tilespmem:$0x1F880] =	vst v63  }
0xf2: {  	v7 =	vld [tilespmem:$0xAE80];
	_ =	sdelay $0x7  }
0xf3: {  	[tilespmem:v7+s25+$0x0] =	vst.idx.add.f32.msk $0xffff, v1  }
0xf4: {  	v7 =	vld [tilespmem:$0xAE90];
	_ =	sdelay $0x7  }
0xf5: {  	[tilespmem:v7+s25+$0x0] =	vst.idx.add.f32.msk $0xffff, v1  }
0xf6: {  	v7 =	vld [tilespmem:$0xAEA0];
	_ =	sdelay $0x7  }
0xf7: {  	[tilespmem:v7+s25+$0x0] =	vst.idx.add.f32.msk $0xffff, v1  }
0xf8: {  	v7 =	vld [tilespmem:$0xAEB0];
	_ =	sdelay $0x7  }
0xf9: {  	[tilespmem:v7+s25+$0x0] =	vst.idx.add.f32.msk $0xffff, v1  }
0xfa: {  	v7 =	vld [tilespmem:$0xAEC0];
	_ =	sdelay $0x7  }
0xfb: {  	[tilespmem:v7+s25+$0x0] =	vst.idx.add.f32.msk $0xffff, v1  }
0xfc: {  	v7 =	vld [tilespmem:$0xAED0];
	_ =	sdelay $0x7  }
0xfd: {  	[tilespmem:v7+s25+$0x0] =	vst.idx.add.f32.msk $0xffff, v1  }
0xfe: {  	v7 =	vld [tilespmem:$0xAEE0];
	_ =	sdelay $0x7  }
0xff: {  	[tilespmem:v7+s25+$0x0] =	vst.idx.add.f32.msk $0xffff, v1  }
0x100: {  	v7 =	vld [tilespmem:$0xAEF0];
	_ =	sdelay $0x7  }
0x101: {  	[tilespmem:v7+s25+$0x0] =	vst.idx.add.f32.msk $0xffff, v1  }
0x102: {  	_ =	swait.ge [sflag:s22], $0x4000  }
0x103: {  	[sflag:s22] =	ssyncset.done $0x0  }
0x104: {  	[sflag:s22] =	ssyncadd.s32 $0xFFFFC000  }
0x105: {  	_ =	swait.ge [sflag:s29], $0x4000  }
0x106: {  	[sflag:s29] =	ssyncset.done $0x0  }
0x107: {  	s8 =	rddreg [dreg:$0x10];
	[sflag:s29] =	ssyncadd.s32 $0xFFFFC000  }
0x108: {  	[tilespmem:s23], [sflag:$0x2] =	stream.indirect.gather [hbm4b:s1+s21], $0x80, s8, s21, $0xb8;
	[tilespmem:$0x1F880] =	vst v63  }
0x109: {  	s9 =	rddreg [dreg:$0x11]  }
0x10a: {  	[spmem:s2] =	stream.indirect.scatter.add.f32 [tilespmem:s3], [sflag:$0x3], $0x80, s9, s21, $0xb8;
	[tilespmem:$0x1F880] =	vst v63  }
0x10b: {  	v7 =	vld [tilespmem:$0xAF00];
	_ =	sdelay $0x7  }
0x10c: {  	[tilespmem:v7+s25+$0x0] =	vst.idx.add.f32.msk $0xffff, v1  }
0x10d: {  	v7 =	vld [tilespmem:$0xAF10];
	_ =	sdelay $0x7  }
0x10e: {  	[tilespmem:v7+s25+$0x0] =	vst.idx.add.f32.msk $0xffff, v1  }
0x10f: {  	v7 =	vld [tilespmem:$0xAF20];
	_ =	sdelay $0x7  }
0x110: {  	[tilespmem:v7+s25+$0x0] =	vst.idx.add.f32.msk $0xffff, v1  }
0x111: {  	v7 =	vld [tilespmem:$0xAF30];
	_ =	sdelay $0x7  }
0x112: {  	[tilespmem:v7+s25+$0x0] =	vst.idx.add.f32.msk $0xffff, v1  }
0x113: {  	v7 =	vld [tilespmem:$0xAF40];
	_ =	sdelay $0x7  }
0x114: {  	[tilespmem:v7+s25+$0x0] =	vst.idx.add.f32.msk $0xffff, v1  }
0x115: {  	v7 =	vld [tilespmem:$0xAF50];
	_ =	sdelay $0x7  }
0x116: {  	[tilespmem:v7+s25+$0x0] =	vst.idx.add.f32.msk $0xffff, v1  }
0x117: {  	v7 =	vld [tilespmem:$0xAF60];
	_ =	sdelay $0x7  }
0x118: {  	[tilespmem:v7+s25+$0x0] =	vst.idx.add.f32.msk $0xffff, v1  }
0x119: {  	v7 =	vld [tilespmem:$0xAF70];
	_ =	sdelay $0x7  }
0x11a: {  	[tilespmem:v7+s25+$0x0] =	vst.idx.add.f32.msk $0xffff, v1  }
0x11b: {  	_ =	swait.ge [sflag:s26], $0x4000  }
0x11c: {  	[sflag:s26] =	ssyncset.done $0x0  }
0x11d: {  	[sflag:s26] =	ssyncadd.s32 $0xFFFFC000  }
0x11e: {  	_ =	swait.ge [sflag:s28], $0x4000  }
0x11f: {  	[sflag:s28] =	ssyncset.done $0x0  }
0x120: {  	s8 =	rddreg [dreg:$0x12];
	[sflag:s28] =	ssyncadd.s32 $0xFFFFC000  }
0x121: {  	[spmem:s2] =	stream.indirect.scatter.add.f32 [tilespmem:s23], [sflag:$0x4], $0x80, s8, s21, $0xb8;
	[tilespmem:$0x1F880] =	vst v63  }
0x122: {  	v7 =	vld [tilespmem:$0xAF80];
	_ =	sdelay $0x7  }
0x123: {  	[tilespmem:v7+s25+$0x0] =	vst.idx.add.f32.msk $0xffff, v1  }
0x124: {  	v7 =	vld [tilespmem:$0xAF90];
	_ =	sdelay $0x7  }
0x125: {  	[tilespmem:v7+s25+$0x0] =	vst.idx.add.f32.msk $0xffff, v1  }
0x126: {  	v7 =	vld [tilespmem:$0xAFA0];
	_ =	sdelay $0x7  }
0x127: {  	[tilespmem:v7+s25+$0x0] =	vst.idx.add.f32.msk $0xffff, v1  }
0x128: {  	v7 =	vld [tilespmem:$0xAFB0];
	_ =	sdelay $0x7  }
0x129: {  	[tilespmem:v7+s25+$0x0] =	vst.idx.add.f32.msk $0xffff, v1  }
0x12a: {  	v7 =	vld [tilespmem:$0xAFC0];
	_ =	sdelay $0x7  }
0x12b: {  	[tilespmem:v7+s25+$0x0] =	vst.idx.add.f32.msk $0xffff, v1  }
0x12c: {  	v7 =	vld [tilespmem:$0xAFD0];
	_ =	sdelay $0x7  }
0x12d: {  	[tilespmem:v7+s25+$0x0] =	vst.idx.add.f32.msk $0xffff, v1  }
0x12e: {  	v7 =	vld [tilespmem:$0xAFE0];
	_ =	sdelay $0x7  }
0x12f: {  	[tilespmem:v7+s25+$0x0] =	vst.idx.add.f32.msk $0xffff, v1  }
0x130: {  	v7 =	vld [tilespmem:$0xAFF0];
	_ =	sdelay $0x7  }
0x131: {  	[tilespmem:v7+s25+$0x0] =	vst.idx.add.f32.msk $0xffff, v1  }
0x132: {  	_ =	swait.ge [sflag:s29], $0x4000  }
0x133: {  	[sflag:s29] =	ssyncset.done $0x0  }
0x134: {  	[sflag:s29] =	ssyncadd.s32 $0xFFFFC000  }
0x135: {  	_ =	swait.ge [sflag:s30], $0x400  }
0x136: {  	[sflag:s30] =	ssyncset.done $0x0  }
0x137: {  	p0 =	seq.s32 s6, $0x400;
	[sflag:s30] =	ssyncadd.s32 $0xFFFFFC00  }
0x138: {  	s7 =	sadd.s32 @!p0 s6, s13;
	_ =	swait.ge [sflag:s30], $0x400  }
0x139: {  	s7 =	sadd.s32 @!p0 $0x100, s7;
	[sflag:s30] =	ssyncset.done $0x0  }
0x13a: {  	s9 =	simm.s32 @!p0 $0xA800;
	s8 =	simm.s32 @!p0 $0x0;
	[sflag:s30] =	ssyncadd.s32 $0xFFFFFC00  }
0x13b: {  	[tilespmem:s9], [sflag:$0x5] =	stream.linear.gather @!p0 [hbm4b:s7+s8], $0x400, $0x38;
	[tilespmem:$0x1F880] =	vst v63  }
0x13c: {  	s7 =	sadd.s32 @!p0 s6, s14  }
0x13d: {  	s9 =	simm.s32 @!p0 $0xAC00;
	s7 =	sadd.s32 @!p0 $0x100, s7  }
0x13e: {  	[tilespmem:s9], [sflag:$0x5] =	stream.linear.gather @!p0 [hbm4b:s7+s8], $0x400, $0x38;
	[tilespmem:$0x1F880] =	vst v63  }
0x13f: {  	_ = 	snop  }
0x140: {  	[tilespmem:s3], [sflag:$0x1] =	stream.indirect.gather [hbm4b:s1+s21], $0x80, s19, s21, $0xb8;
	[tilespmem:$0x1F880] =	vst v63  }
0x141: {  	_ =	swait.ge [sflag:s22], $0x4000  }
0x142: {  	[sflag:s22] =	ssyncset.done $0x0  }
0x143: {  	s9 =	rddreg [dreg:$0x13];
	[sflag:s22] =	ssyncadd.s32 $0xFFFFC000  }
0x144: {  	[tilespmem:s23], [sflag:$0x2] =	stream.indirect.gather [hbm4b:s1+s21], $0x80, s9, s21, $0xb8;
	[tilespmem:$0x1F880] =	vst v63  }
0x145: {  	_ = 	snop  }
0x146: {  	[spmem:s2] =	stream.indirect.scatter.add.f32 [tilespmem:s3], [sflag:$0x3], $0x80, s20, s21, $0xb8;
	[tilespmem:$0x1F880] =	vst v63  }
0x147: {  	v7 =	vld [tilespmem:$0xB400];
	_ =	sdelay $0x7  }
0x148: {  	[tilespmem:v7+s25+$0x0] =	vst.idx.add.f32.msk $0xffff, v1  }
0x149: {  	v7 =	vld [tilespmem:$0xB410];
	_ =	sdelay $0x7  }
0x14a: {  	[tilespmem:v7+s25+$0x0] =	vst.idx.add.f32.msk $0xffff, v1  }
0x14b: {  	v7 =	vld [tilespmem:$0xB420];
	_ =	sdelay $0x7  }
0x14c: {  	[tilespmem:v7+s25+$0x0] =	vst.idx.add.f32.msk $0xffff, v1  }
0x14d: {  	v7 =	vld [tilespmem:$0xB430];
	_ =	sdelay $0x7  }
0x14e: {  	[tilespmem:v7+s25+$0x0] =	vst.idx.add.f32.msk $0xffff, v1  }
0x14f: {  	v7 =	vld [tilespmem:$0xB440];
	_ =	sdelay $0x7  }
0x150: {  	[tilespmem:v7+s25+$0x0] =	vst.idx.add.f32.msk $0xffff, v1  }
0x151: {  	v7 =	vld [tilespmem:$0xB450];
	_ =	sdelay $0x7  }
0x152: {  	[tilespmem:v7+s25+$0x0] =	vst.idx.add.f32.msk $0xffff, v1  }
0x153: {  	v7 =	vld [tilespmem:$0xB460];
	_ =	sdelay $0x7  }
0x154: {  	[tilespmem:v7+s25+$0x0] =	vst.idx.add.f32.msk $0xffff, v1  }
0x155: {  	v7 =	vld [tilespmem:$0xB470];
	_ =	sdelay $0x7  }
0x156: {  	[tilespmem:v7+s25+$0x0] =	vst.idx.add.f32.msk $0xffff, v1  }
0x157: {  	_ =	swait.ge [sflag:s26], $0x4000  }
0x158: {  	[sflag:s26] =	ssyncset.done $0x0  }
0x159: {  	[sflag:s26] =	ssyncadd.s32 $0xFFFFC000  }
0x15a: {  	_ =	swait.ge [sflag:s28], $0x4000  }
0x15b: {  	[sflag:s28] =	ssyncset.done $0x0  }
0x15c: {  	s8 =	rddreg [dreg:$0x14];
	[sflag:s28] =	ssyncadd.s32 $0xFFFFC000  }
0x15d: {  	[tilespmem:s3], [sflag:$0x1] =	stream.indirect.gather [hbm4b:s1+s21], $0x80, s8, s21, $0xb8;
	[tilespmem:$0x1F880] =	vst v63  }
0x15e: {  	s9 =	rddreg [dreg:$0x15]  }
0x15f: {  	[spmem:s2] =	stream.indirect.scatter.add.f32 [tilespmem:s23], [sflag:$0x4], $0x80, s9, s21, $0xb8;
	[tilespmem:$0x1F880] =	vst v63  }
0x160: {  	v7 =	vld [tilespmem:$0xB480];
	_ =	sdelay $0x7  }
0x161: {  	[tilespmem:v7+s25+$0x0] =	vst.idx.add.f32.msk $0xffff, v1  }
0x162: {  	v7 =	vld [tilespmem:$0xB490];
	_ =	sdelay $0x7  }
0x163: {  	[tilespmem:v7+s25+$0x0] =	vst.idx.add.f32.msk $0xffff, v1  }
0x164: {  	v7 =	vld [tilespmem:$0xB4A0];
	_ =	sdelay $0x7  }
0x165: {  	[tilespmem:v7+s25+$0x0] =	vst.idx.add.f32.msk $0xffff, v1  }
0x166: {  	v7 =	vld [tilespmem:$0xB4B0];
	_ =	sdelay $0x7  }
0x167: {  	[tilespmem:v7+s25+$0x0] =	vst.idx.add.f32.msk $0xffff, v1  }
0x168: {  	v7 =	vld [tilespmem:$0xB4C0];
	_ =	sdelay $0x7  }
0x169: {  	[tilespmem:v7+s25+$0x0] =	vst.idx.add.f32.msk $0xffff, v1  }
0x16a: {  	v7 =	vld [tilespmem:$0xB4D0];
	_ =	sdelay $0x7  }
0x16b: {  	[tilespmem:v7+s25+$0x0] =	vst.idx.add.f32.msk $0xffff, v1  }
0x16c: {  	v7 =	vld [tilespmem:$0xB4E0];
	_ =	sdelay $0x7  }
0x16d: {  	[tilespmem:v7+s25+$0x0] =	vst.idx.add.f32.msk $0xffff, v1  }
0x16e: {  	v7 =	vld [tilespmem:$0xB4F0];
	_ =	sdelay $0x7  }
0x16f: {  	[tilespmem:v7+s25+$0x0] =	vst.idx.add.f32.msk $0xffff, v1  }
0x170: {  	_ =	swait.ge [sflag:s22], $0x4000  }
0x171: {  	[sflag:s22] =	ssyncset.done $0x0  }
0x172: {  	[sflag:s22] =	ssyncadd.s32 $0xFFFFC000  }
0x173: {  	_ =	swait.ge [sflag:s29], $0x4000  }
0x174: {  	[sflag:s29] =	ssyncset.done $0x0  }
0x175: {  	s8 =	rddreg [dreg:$0x16];
	[sflag:s29] =	ssyncadd.s32 $0xFFFFC000  }
0x176: {  	[tilespmem:s23], [sflag:$0x2] =	stream.indirect.gather [hbm4b:s1+s21], $0x80, s8, s21, $0xb8;
	[tilespmem:$0x1F880] =	vst v63  }
0x177: {  	s9 =	rddreg [dreg:$0x17]  }
0x178: {  	[spmem:s2] =	stream.indirect.scatter.add.f32 [tilespmem:s3], [sflag:$0x3], $0x80, s9, s21, $0xb8;
	[tilespmem:$0x1F880] =	vst v63  }
0x179: {  	v7 =	vld [tilespmem:$0xB500];
	_ =	sdelay $0x7  }
0x17a: {  	[tilespmem:v7+s25+$0x0] =	vst.idx.add.f32.msk $0xffff, v1  }
0x17b: {  	v7 =	vld [tilespmem:$0xB510];
	_ =	sdelay $0x7  }
0x17c: {  	[tilespmem:v7+s25+$0x0] =	vst.idx.add.f32.msk $0xffff, v1  }
0x17d: {  	v7 =	vld [tilespmem:$0xB520];
	_ =	sdelay $0x7  }
0x17e: {  	[tilespmem:v7+s25+$0x0] =	vst.idx.add.f32.msk $0xffff, v1  }
0x17f: {  	v7 =	vld [tilespmem:$0xB530];
	_ =	sdelay $0x7  }
0x180: {  	[tilespmem:v7+s25+$0x0] =	vst.idx.add.f32.msk $0xffff, v1  }
0x181: {  	v7 =	vld [tilespmem:$0xB540];
	_ =	sdelay $0x7  }
0x182: {  	[tilespmem:v7+s25+$0x0] =	vst.idx.add.f32.msk $0xffff, v1  }
0x183: {  	v7 =	vld [tilespmem:$0xB550];
	_ =	sdelay $0x7  }
0x184: {  	[tilespmem:v7+s25+$0x0] =	vst.idx.add.f32.msk $0xffff, v1  }
0x185: {  	v7 =	vld [tilespmem:$0xB560];
	_ =	sdelay $0x7  }
0x186: {  	[tilespmem:v7+s25+$0x0] =	vst.idx.add.f32.msk $0xffff, v1  }
0x187: {  	v7 =	vld [tilespmem:$0xB570];
	_ =	sdelay $0x7  }
0x188: {  	[tilespmem:v7+s25+$0x0] =	vst.idx.add.f32.msk $0xffff, v1  }
0x189: {  	_ =	swait.ge [sflag:s26], $0x4000  }
0x18a: {  	[sflag:s26] =	ssyncset.done $0x0  }
0x18b: {  	[sflag:s26] =	ssyncadd.s32 $0xFFFFC000  }
0x18c: {  	_ =	swait.ge [sflag:s28], $0x4000  }
0x18d: {  	[sflag:s28] =	ssyncset.done $0x0  }
0x18e: {  	s8 =	rddreg [dreg:$0x18];
	[sflag:s28] =	ssyncadd.s32 $0xFFFFC000  }
0x18f: {  	[tilespmem:s3], [sflag:$0x1] =	stream.indirect.gather [hbm4b:s1+s21], $0x80, s8, s21, $0xb8;
	[tilespmem:$0x1F880] =	vst v63  }
0x190: {  	s9 =	rddreg [dreg:$0x19]  }
0x191: {  	[spmem:s2] =	stream.indirect.scatter.add.f32 [tilespmem:s23], [sflag:$0x4], $0x80, s9, s21, $0xb8;
	[tilespmem:$0x1F880] =	vst v63  }
0x192: {  	v7 =	vld [tilespmem:$0xB580];
	_ =	sdelay $0x7  }
0x193: {  	[tilespmem:v7+s25+$0x0] =	vst.idx.add.f32.msk $0xffff, v1  }
0x194: {  	v7 =	vld [tilespmem:$0xB590];
	_ =	sdelay $0x7  }
0x195: {  	[tilespmem:v7+s25+$0x0] =	vst.idx.add.f32.msk $0xffff, v1  }
0x196: {  	v7 =	vld [tilespmem:$0xB5A0];
	_ =	sdelay $0x7  }
0x197: {  	[tilespmem:v7+s25+$0x0] =	vst.idx.add.f32.msk $0xffff, v1  }
0x198: {  	v7 =	vld [tilespmem:$0xB5B0];
	_ =	sdelay $0x7  }
0x199: {  	[tilespmem:v7+s25+$0x0] =	vst.idx.add.f32.msk $0xffff, v1  }
0x19a: {  	v7 =	vld [tilespmem:$0xB5C0];
	_ =	sdelay $0x7  }
0x19b: {  	[tilespmem:v7+s25+$0x0] =	vst.idx.add.f32.msk $0xffff, v1  }
0x19c: {  	v7 =	vld [tilespmem:$0xB5D0];
	_ =	sdelay $0x7  }
0x19d: {  	[tilespmem:v7+s25+$0x0] =	vst.idx.add.f32.msk $0xffff, v1  }
0x19e: {  	v7 =	vld [tilespmem:$0xB5E0];
	_ =	sdelay $0x7  }
0x19f: {  	[tilespmem:v7+s25+$0x0] =	vst.idx.add.f32.msk $0xffff, v1  }
0x1a0: {  	v7 =	vld [tilespmem:$0xB5F0];
	_ =	sdelay $0x7  }
0x1a1: {  	[tilespmem:v7+s25+$0x0] =	vst.idx.add.f32.msk $0xffff, v1  }
0x1a2: {  	_ =	swait.ge [sflag:s22], $0x4000  }
0x1a3: {  	[sflag:s22] =	ssyncset.done $0x0  }
0x1a4: {  	[sflag:s22] =	ssyncadd.s32 $0xFFFFC000  }
0x1a5: {  	_ =	swait.ge [sflag:s29], $0x4000  }
0x1a6: {  	[sflag:s29] =	ssyncset.done $0x0  }
0x1a7: {  	s8 =	rddreg [dreg:$0x1a];
	[sflag:s29] =	ssyncadd.s32 $0xFFFFC000  }
0x1a8: {  	[tilespmem:s23], [sflag:$0x2] =	stream.indirect.gather [hbm4b:s1+s21], $0x80, s8, s21, $0xb8;
	[tilespmem:$0x1F880] =	vst v63  }
0x1a9: {  	s9 =	rddreg [dreg:$0x1b]  }
0x1aa: {  	[spmem:s2] =	stream.indirect.scatter.add.f32 [tilespmem:s3], [sflag:$0x3], $0x80, s9, s21, $0xb8;
	[tilespmem:$0x1F880] =	vst v63  }
0x1ab: {  	v7 =	vld [tilespmem:$0xB600];
	_ =	sdelay $0x7  }
0x1ac: {  	[tilespmem:v7+s25+$0x0] =	vst.idx.add.f32.msk $0xffff, v1  }
0x1ad: {  	v7 =	vld [tilespmem:$0xB610];
	_ =	sdelay $0x7  }
0x1ae: {  	[tilespmem:v7+s25+$0x0] =	vst.idx.add.f32.msk $0xffff, v1  }
0x1af: {  	v7 =	vld [tilespmem:$0xB620];
	_ =	sdelay $0x7  }
0x1b0: {  	[tilespmem:v7+s25+$0x0] =	vst.idx.add.f32.msk $0xffff, v1  }
0x1b1: {  	v7 =	vld [tilespmem:$0xB630];
	_ =	sdelay $0x7  }
0x1b2: {  	[tilespmem:v7+s25+$0x0] =	vst.idx.add.f32.msk $0xffff, v1  }
0x1b3: {  	v7 =	vld [tilespmem:$0xB640];
	_ =	sdelay $0x7  }
0x1b4: {  	[tilespmem:v7+s25+$0x0] =	vst.idx.add.f32.msk $0xffff, v1  }
0x1b5: {  	v7 =	vld [tilespmem:$0xB650];
	_ =	sdelay $0x7  }
0x1b6: {  	[tilespmem:v7+s25+$0x0] =	vst.idx.add.f32.msk $0xffff, v1  }
0x1b7: {  	v7 =	vld [tilespmem:$0xB660];
	_ =	sdelay $0x7  }
0x1b8: {  	[tilespmem:v7+s25+$0x0] =	vst.idx.add.f32.msk $0xffff, v1  }
0x1b9: {  	v7 =	vld [tilespmem:$0xB670];
	_ =	sdelay $0x7  }
0x1ba: {  	[tilespmem:v7+s25+$0x0] =	vst.idx.add.f32.msk $0xffff, v1  }
0x1bb: {  	_ =	swait.ge [sflag:s26], $0x4000  }
0x1bc: {  	[sflag:s26] =	ssyncset.done $0x0  }
0x1bd: {  	[sflag:s26] =	ssyncadd.s32 $0xFFFFC000  }
0x1be: {  	_ =	swait.ge [sflag:s28], $0x4000  }
0x1bf: {  	[sflag:s28] =	ssyncset.done $0x0  }
0x1c0: {  	s8 =	rddreg [dreg:$0x1c];
	[sflag:s28] =	ssyncadd.s32 $0xFFFFC000  }
0x1c1: {  	[tilespmem:s3], [sflag:$0x1] =	stream.indirect.gather [hbm4b:s1+s21], $0x80, s8, s21, $0xb8;
	[tilespmem:$0x1F880] =	vst v63  }
0x1c2: {  	s9 =	rddreg [dreg:$0x1d]  }
0x1c3: {  	[spmem:s2] =	stream.indirect.scatter.add.f32 [tilespmem:s23], [sflag:$0x4], $0x80, s9, s21, $0xb8;
	[tilespmem:$0x1F880] =	vst v63  }
0x1c4: {  	v7 =	vld [tilespmem:$0xB680];
	_ =	sdelay $0x7  }
0x1c5: {  	[tilespmem:v7+s25+$0x0] =	vst.idx.add.f32.msk $0xffff, v1  }
0x1c6: {  	v7 =	vld [tilespmem:$0xB690];
	_ =	sdelay $0x7  }
0x1c7: {  	[tilespmem:v7+s25+$0x0] =	vst.idx.add.f32.msk $0xffff, v1  }
0x1c8: {  	v7 =	vld [tilespmem:$0xB6A0];
	_ =	sdelay $0x7  }
0x1c9: {  	[tilespmem:v7+s25+$0x0] =	vst.idx.add.f32.msk $0xffff, v1  }
0x1ca: {  	v7 =	vld [tilespmem:$0xB6B0];
	_ =	sdelay $0x7  }
0x1cb: {  	[tilespmem:v7+s25+$0x0] =	vst.idx.add.f32.msk $0xffff, v1  }
0x1cc: {  	v7 =	vld [tilespmem:$0xB6C0];
	_ =	sdelay $0x7  }
0x1cd: {  	[tilespmem:v7+s25+$0x0] =	vst.idx.add.f32.msk $0xffff, v1  }
0x1ce: {  	v7 =	vld [tilespmem:$0xB6D0];
	_ =	sdelay $0x7  }
0x1cf: {  	[tilespmem:v7+s25+$0x0] =	vst.idx.add.f32.msk $0xffff, v1  }
0x1d0: {  	v7 =	vld [tilespmem:$0xB6E0];
	_ =	sdelay $0x7  }
0x1d1: {  	[tilespmem:v7+s25+$0x0] =	vst.idx.add.f32.msk $0xffff, v1  }
0x1d2: {  	v7 =	vld [tilespmem:$0xB6F0];
	_ =	sdelay $0x7  }
0x1d3: {  	[tilespmem:v7+s25+$0x0] =	vst.idx.add.f32.msk $0xffff, v1  }
0x1d4: {  	_ =	swait.ge [sflag:s22], $0x4000  }
0x1d5: {  	[sflag:s22] =	ssyncset.done $0x0  }
0x1d6: {  	[sflag:s22] =	ssyncadd.s32 $0xFFFFC000  }
0x1d7: {  	_ =	swait.ge [sflag:s29], $0x4000  }
0x1d8: {  	[sflag:s29] =	ssyncset.done $0x0  }
0x1d9: {  	s9 =	rddreg [dreg:$0x1e];
	[sflag:s29] =	ssyncadd.s32 $0xFFFFC000  }
0x1da: {  	[tilespmem:s23], [sflag:$0x2] =	stream.indirect.gather [hbm4b:s1+s21], $0x80, s9, s21, $0xb8;
	[tilespmem:$0x1F880] =	vst v63  }
0x1db: {  	_ = 	snop  }
0x1dc: {  	[spmem:s2] =	stream.indirect.scatter.add.f32 [tilespmem:s3], [sflag:$0x3], $0x80, s31, s21, $0xb8;
	[tilespmem:$0x1F880] =	vst v63  }
0x1dd: {  	v7 =	vld [tilespmem:$0xB700];
	_ =	sdelay $0x7  }
0x1de: {  	[tilespmem:v7+s25+$0x0] =	vst.idx.add.f32.msk $0xffff, v1  }
0x1df: {  	v7 =	vld [tilespmem:$0xB710];
	_ =	sdelay $0x7  }
0x1e0: {  	[tilespmem:v7+s25+$0x0] =	vst.idx.add.f32.msk $0xffff, v1  }
0x1e1: {  	v7 =	vld [tilespmem:$0xB720];
	_ =	sdelay $0x7  }
0x1e2: {  	[tilespmem:v7+s25+$0x0] =	vst.idx.add.f32.msk $0xffff, v1  }
0x1e3: {  	v7 =	vld [tilespmem:$0xB730];
	_ =	sdelay $0x7  }
0x1e4: {  	[tilespmem:v7+s25+$0x0] =	vst.idx.add.f32.msk $0xffff, v1  }
0x1e5: {  	v7 =	vld [tilespmem:$0xB740];
	_ =	sdelay $0x7  }
0x1e6: {  	[tilespmem:v7+s25+$0x0] =	vst.idx.add.f32.msk $0xffff, v1  }
0x1e7: {  	v7 =	vld [tilespmem:$0xB750];
	_ =	sdelay $0x7  }
0x1e8: {  	[tilespmem:v7+s25+$0x0] =	vst.idx.add.f32.msk $0xffff, v1  }
0x1e9: {  	v7 =	vld [tilespmem:$0xB760];
	_ =	sdelay $0x7  }
0x1ea: {  	[tilespmem:v7+s25+$0x0] =	vst.idx.add.f32.msk $0xffff, v1  }
0x1eb: {  	v7 =	vld [tilespmem:$0xB770];
	_ =	sdelay $0x7  }
0x1ec: {  	[tilespmem:v7+s25+$0x0] =	vst.idx.add.f32.msk $0xffff, v1  }
0x1ed: {  	_ =	swait.ge [sflag:s26], $0x4000  }
0x1ee: {  	[sflag:s26] =	ssyncset.done $0x0  }
0x1ef: {  	[sflag:s26] =	ssyncadd.s32 $0xFFFFC000  }
0x1f0: {  	_ =	swait.ge [sflag:s28], $0x4000  }
0x1f1: {  	[sflag:s28] =	ssyncset.done $0x0  }
0x1f2: {  	[sflag:s28] =	ssyncadd.s32 $0xFFFFC000  }
0x1f3: {  	[spmem:s2] =	stream.indirect.scatter.add.f32 [tilespmem:s23], [sflag:$0x4], $0x80, s0, s21, $0xb8;
	[tilespmem:$0x1F880] =	vst v63  }
0x1f4: {  	v7 =	vld [tilespmem:$0xB780];
	_ =	sdelay $0x7  }
0x1f5: {  	[tilespmem:v7+s25+$0x0] =	vst.idx.add.f32.msk $0xffff, v1  }
0x1f6: {  	v7 =	vld [tilespmem:$0xB790];
	_ =	sdelay $0x7  }
0x1f7: {  	[tilespmem:v7+s25+$0x0] =	vst.idx.add.f32.msk $0xffff, v1  }
0x1f8: {  	v7 =	vld [tilespmem:$0xB7A0];
	_ =	sdelay $0x7  }
0x1f9: {  	[tilespmem:v7+s25+$0x0] =	vst.idx.add.f32.msk $0xffff, v1  }
0x1fa: {  	v7 =	vld [tilespmem:$0xB7B0];
	_ =	sdelay $0x7  }
0x1fb: {  	[tilespmem:v7+s25+$0x0] =	vst.idx.add.f32.msk $0xffff, v1  }
0x1fc: {  	v7 =	vld [tilespmem:$0xB7C0];
	_ =	sdelay $0x7  }
0x1fd: {  	[tilespmem:v7+s25+$0x0] =	vst.idx.add.f32.msk $0xffff, v1  }
0x1fe: {  	v7 =	vld [tilespmem:$0xB7D0];
	_ =	sdelay $0x7  }
0x1ff: {  	[tilespmem:v7+s25+$0x0] =	vst.idx.add.f32.msk $0xffff, v1  }
0x200: {  	v7 =	vld [tilespmem:$0xB7E0];
	_ =	sdelay $0x7  }
0x201: {  	[tilespmem:v7+s25+$0x0] =	vst.idx.add.f32.msk $0xffff, v1  }
0x202: {  	v7 =	vld [tilespmem:$0xB7F0];
	_ =	sdelay $0x4  }
0x203: {  	s6 =	sadd.s32 $0x100, s6  }
0x204: {  	p0 =	sne.s32 s6, $0x500  }
.Ltmp2:
0x205: {  	_ = 	snop;
	(pc) =	sbr.rel @p0 .LBB2_6-.Ltmp2, $4  }
0x206: {  	[tilespmem:v7+s25+$0x0] =	vst.idx.add.f32.msk $0xffff, v1  }
0x207: {  	_ =	swait.ge [sflag:s29], $0x4000  }
0x208: {  	[sflag:s29] =	ssyncset.done $0x0  }
0x209: {  	[sflag:s29] =	ssyncadd.s32 $0xFFFFC000  }
0x20a: {  	[tilespmem:$0xB800] =	vst v2  }
0x20b: {  	[tilespmem:$0xB810] =	vst v3  }
0x20c: {  	[tilespmem:$0xB820] =	vst v4  }
0x20d: {  	[tilespmem:$0xB830] =	vst v5  }
0x20e: {  	[tilespmem:$0xB840] =	vst v6;
	s6 =	simm.s32 $0x50;
	s7 =	simm.s32 $0xB800  }
0x20f: {  	[spmem:s2] =	stream.indirect.scatter.add.f32 [tilespmem:s25], [sflag:$0x7], $0x80, s7, s6, $0xb8;
	[tilespmem:$0x1F880] =	vst v63  }
0x210: {  	s8 =	stileid.u32;
	_ =	swait.ge [sflag:s15], $0x2800  }
0x211: {  	s9 =	sshrl.u32 s5, $0x3;
	s4 =	sadd.s32 $0x1, s4;
	[sflag:s15] =	ssyncset.done $0x0  }
0x212: {  	s6 =	sshll.u32 s8, $0x6;
	p0 =	sne.s32 s4, s12;
	[sflag:s15] =	ssyncadd.s32 $0xFFFFD800  }
.Ltmp3:
0x213: {  	s6 =	sor.u32 $0x1C07, s6;
	[bflag:$0x0] =	sbarrier.arrive $0xFFFF;
	(pc) =	sbr.rel @p0 .LBB2_1-.Ltmp3, $4  }
0x214: {  	[hbm:s24], [sflag:s6] =	dma.local [spmem:s9], $0x2800  }
0x215: {  	_ =	swait.ge [sflag:s15], $0x2800  }
0x216: {  	[sflag:s15] =	ssyncset.done $0x0  }
0x217: {  	[sflag:s15] =	ssyncadd.s32 $0xFFFFD800  }
0x218: {  	_ =	sfence.sel $0x180000  }
0x219: {  	[bflag:$0x0] =	sbarrier.arrive $0xFFFF  }
0x21a: {  	_ =	strace $0x90000047  }
0x21b: {  	s0 =	stileid.u32;
	[bflag:$0x2] =	sbarrier.arrive $0xFFFF  }
0x21c: {  	p0 =	sne.s32 s0, $0x0;
	s0 =	rddreg [dreg:$0x4]  }
0x21d: {  	s0 =	sadd.s32 @!p0 $0x100000, s0  }
0x21e: {  	[sflag:s0] =	ssyncadd.tile.s32 @!p0 $0x1;
	_ =	shalt  }
.Lfunc_end2:
_tile_overlayer_lowered:
.L_overlay_start_2:
0x21f: {  	(tag) =	ssettag $0x2  }
0x220: {  	s0 =	rddreg [dreg:$0x0];
	s2 =	stileid.u32  }
0x221: {  	s1 =	rddreg [dreg:$0x1];
	p0 =	sne.s32 s2, $0x0  }
0x222: {  	s3 =	rddreg [dreg:$0x2];
	[bflag:$0x3] =	sbarrier.arrive $0xFFFF;
	s2 =	simm.s32 @!p0 $0x1C07  }
0x223: {  	[timem:s3], [sflag:s2] =	dma.local @!p0 [hbm:s0], s1  }
0x224: {  	s0 =	simm.s32 @!p0 $0x7  }
0x225: {  	_ =	swait.ge @!p0 [sflag:s0], s1  }
0x226: {  	s1 =	ssub.s32 @!p0 $0x0, s1;
	[sflag:s0] =	ssyncset.done @!p0 $0x0  }
0x227: {  	[sflag:s0] =	ssyncadd.s32 @!p0 s1  }
0x228: {  	[bflag:$0x3] =	sbarrier.arrive $0xFFFF  }
0x229: {  	_ =	shalt  }

</sc_bundles>
